<compile_context>
chip_gen: v7x
topology: tpu7x:2x2x1
jax: 0.10.2.dev20260603
libtpu: 0.0.44.dev20260713+nightly
codegen_flags: <defaults>
</compile_context>

<pallas_src>
import functools

import numpy as np
import jax
import jax.numpy as jnp
from jax import lax
from jax.experimental import pallas as pl
from jax.experimental.pallas import tpu as pltpu
from jax.experimental.pallas import tpu_sc as plsc

LEVELS = 16
CHANNELS = 2
TABLE_SIZE = 1 << 15
BASE_RES = 16
GROWTH = 1.5
IN_COORDS = 3
HIDDEN = 64
OUT_DIM = 5
BATCH = 131072
ENC_DIM = IN_COORDS * LEVELS * CHANNELS
NPAIR = IN_COORDS * LEVELS
NWORKERS = 32
UNITS_PER_W = 3
HALF = BATCH // 2
CHUNK = 4096
NCHUNK = HALF // CHUNK
NVEC = CHUNK // 16
HASH_K = -1640531535


def _level_consts():
    scales, res = [], []
    for l in range(LEVELS):
        s = float(2.0 ** (l * np.log2(GROWTH)) * BASE_RES - 1.0)
        r = int(np.ceil(s)) + 1
        scales.append(s)
        res.append(r)
    return np.array(scales, np.float32), np.array(res, np.int32)


_SCALES, _RES = _level_consts()


def _make_encoder():
    mesh = plsc.VectorSubcoreMesh(core_axis_name="c", subcore_axis_name="s")

    @functools.partial(
        pl.kernel,
        mesh=mesh,
        out_type=jax.ShapeDtypeStruct((ENC_DIM * BATCH,), jnp.float32),
        compiler_params=pltpu.CompilerParams(needs_layout_passes=False),
        scratch_types=[
            pltpu.VMEM((TABLE_SIZE * CHANNELS,), jnp.float32),
            pltpu.VMEM((CHUNK * 6,), jnp.float32),
            pltpu.VMEM((CHUNK,), jnp.float32),
            pltpu.VMEM((CHUNK,), jnp.float32),
            pltpu.VMEM((LEVELS,), jnp.float32),
            pltpu.VMEM((LEVELS,), jnp.int32),
        ],
    )
    def encode(xf, tab, scales, resa, out, table_v, xb, o0, o1, sc_v, rs_v):
        pltpu.sync_copy(scales, sc_v)
        pltpu.sync_copy(resa, rs_v)
        wid = lax.axis_index("s") * 2 + lax.axis_index("c")
        iota6 = lax.iota(jnp.int32, 16) * 6
        for u in range(UNITS_PER_W):
            unit = wid * UNITS_PER_W + u
            pair = unit >> 1
            halfsel = unit & 1
            coord = pair >> 4
            level = pair & 15
            base = halfsel * HALF
            pltpu.sync_copy(tab.at[pl.ds(pair * (TABLE_SIZE * CHANNELS),
                                         TABLE_SIZE * CHANNELS)], table_v)
            lvl_v = jnp.full((16,), level, jnp.int32)
            scale_v = plsc.load_gather(sc_v, [lvl_v])
            res_v = plsc.load_gather(rs_v, [lvl_v])
            resm1 = res_v - 1
            is_hash = (res_v * res_v) > TABLE_SIZE
            xcol = coord * 2
            orow_off = pair * 2 * BATCH + base

            def chunk_body(ci, carry):
                off = ci * CHUNK
                pltpu.sync_copy(xf.at[pl.ds((base + off) * 6, CHUNK * 6)], xb)

                def vec_body(i, carry2):
                    s0 = pl.multiple_of(i * 16, 16)
                    ix = iota6 + (i * 96 + xcol)
                    xv = plsc.load_gather(xb, [ix])
                    yv = plsc.load_gather(xb, [ix + 1])
                    px = xv * scale_v + 0.5
                    py = yv * scale_v + 0.5
                    p0x = px.astype(jnp.int32)
                    p0y = py.astype(jnp.int32)
                    wx = px - p0x.astype(jnp.float32)
                    wy = py - p0y.astype(jnp.float32)
                    cx1 = jnp.minimum(p0x + 1, resm1)
                    cy1 = jnp.minimum(p0y + 1, resm1)
                    wx0 = 1.0 - wx
                    wy0 = 1.0 - wy
                    acc0 = jnp.zeros((16,), jnp.float32)
                    acc1 = jnp.zeros((16,), jnp.float32)
                    for cx, cy, w in (
                        (p0x, p0y, wx0 * wy0),
                        (p0x, cy1, wx0 * wy),
                        (cx1, p0y, wx * wy0),
                        (cx1, cy1, wx * wy),
                    ):
                        direct = cx * res_v + cy
                        hashed = (cx ^ (cy * HASH_K)) & (TABLE_SIZE - 1)
                        idx = jnp.where(is_hash, hashed, direct)
                        fi = idx + (idx & -128)
                        acc0 = acc0 + w * plsc.load_gather(table_v, [fi])
                        acc1 = acc1 + w * plsc.load_gather(table_v, [fi + 128])
                    o0[pl.ds(s0, 16)] = acc0
                    o1[pl.ds(s0, 16)] = acc1
                    return carry2

                lax.fori_loop(0, NVEC, vec_body, 0)
                pltpu.sync_copy(o0, out.at[pl.ds(orow_off + off, CHUNK)])
                pltpu.sync_copy(o1, out.at[pl.ds(orow_off + BATCH + off, CHUNK)])
                return carry

            lax.fori_loop(0, NCHUNK, chunk_body, 0)

    return encode


_encode = _make_encoder()


def _mlp(enc_t, w1t, w2t, w3p):
    cb = 1024

    def body(e_ref, w1_ref, w2_ref, w3_ref, o4_ref, o1_ref):
        h = jnp.maximum(
            lax.dot(w1_ref[...], e_ref[...], preferred_element_type=jnp.float32), 0.0)
        h = jnp.maximum(
            lax.dot(w2_ref[...], h, preferred_element_type=jnp.float32), 0.0)
        o = lax.dot_general(h, w3_ref[...], (((0,), (0,)), ((), ())),
                            preferred_element_type=jnp.float32)
        o4_ref[...] = o[:, :4]
        o1_ref[...] = o[:, 4:5]

    return pl.pallas_call(
        body,
        grid=(BATCH // cb,),
        in_specs=[
            pl.BlockSpec((ENC_DIM, cb), lambda i: (0, i)),
            pl.BlockSpec((HIDDEN, ENC_DIM), lambda i: (0, 0)),
            pl.BlockSpec((HIDDEN, HIDDEN), lambda i: (0, 0)),
            pl.BlockSpec((HIDDEN, 8), lambda i: (0, 0)),
        ],
        out_specs=[
            pl.BlockSpec((cb, 4), lambda i: (i, 0)),
            pl.BlockSpec((cb, 1), lambda i: (i, 0)),
        ],
        out_shape=[
            jax.ShapeDtypeStruct((BATCH, 4), jnp.float32),
            jax.ShapeDtypeStruct((BATCH, 1), jnp.float32),
        ],
    )(enc_t, w1t, w2t, w3p)


def kernel(x, tables, W1, W2, W3):
    xf = x.reshape(-1)
    tab = (tables.transpose(0, 1, 3, 2)
           .reshape(IN_COORDS, LEVELS, CHANNELS, TABLE_SIZE // 128, 128)
           .transpose(0, 1, 3, 2, 4)
           .reshape(-1))
    enc_flat = _encode(xf, tab, jnp.asarray(_SCALES), jnp.asarray(_RES))
    enc_t = enc_flat.reshape(ENC_DIM, BATCH)
    w1t = W1.T
    w2t = W2.T
    w3p = jnp.pad(W3, ((0, 0), (0, 3)))
    out4, out1 = _mlp(enc_t, w1t, w2t, w3p)
    return (out4, out1)

# --- scband reference (transcript-rebuilt; emitter-appended) ---
"""Pipeline reference for scband-agent5-47296179863719 (READ-ONLY COPY).

The authoritative reference and input builder live on the scoring server;
editing this copy changes nothing except your own understanding.
"""

import jax, jax.numpy as jnp
import numpy as np

LEVELS = 16
CHANNELS = 2
TABLE_SIZE = 1 << 15
BASE_RES = 16
GROWTH = 1.5
IN_COORDS = 3
HIDDEN = 64
OUT_DIM = 5
BATCH = 131072
ENC_DIM = IN_COORDS * LEVELS * CHANNELS


def _level_params():
    params = []
    for l in range(LEVELS):
        scale = float(2.0 ** (l * np.log2(GROWTH)) * BASE_RES - 1.0)
        res = int(np.ceil(scale)) + 1
        params.append((scale, res))
    return params


def hash_grid_encode(xy, table):
    # xy: [B, 2] in [0, 1); table: [LEVELS, TABLE_SIZE, CHANNELS]
    feats = []
    for l, (scale, res) in enumerate(_level_params()):
        pos = xy * scale + 0.5
        p0 = jnp.floor(pos)
        w = pos - p0
        p0i = p0.astype(jnp.int32)
        acc = jnp.zeros((xy.shape[0], CHANNELS), dtype=xy.dtype)
        for dx in (0, 1):
            for dy in (0, 1):
                cx = jnp.clip(p0i[:, 0] + dx, 0, res - 1)
                cy = jnp.clip(p0i[:, 1] + dy, 0, res - 1)
                if res * res <= TABLE_SIZE:
                    idx = cx * res + cy
                else:
                    idx = ((cx.astype(jnp.uint32) * jnp.uint32(1)) ^ (cy.astype(jnp.uint32) * jnp.uint32(2654435761))) % jnp.uint32(TABLE_SIZE)
                    idx = idx.astype(jnp.int32)
                wx = w[:, 0] if dx == 1 else 1.0 - w[:, 0]
                wy = w[:, 1] if dy == 1 else 1.0 - w[:, 1]
                acc = acc + (wx * wy)[:, None] * jnp.take(table[l], idx, axis=0)
        feats.append(acc)
    return jnp.concatenate(feats, -1)


def setup_inputs(seed: int = 0):
    key = jax.random.key(seed)
    k1, k2, k3, k4, k5 = jax.random.split(key, 5)
    x = jax.random.uniform(k1, (BATCH, IN_COORDS * 2), dtype=jnp.float32)
    tables = jax.random.uniform(k2, (IN_COORDS, LEVELS, TABLE_SIZE, CHANNELS), dtype=jnp.float32, minval=-1e-4, maxval=1e-4)
    W1 = jax.random.normal(k3, (ENC_DIM, HIDDEN), dtype=jnp.float32) * (1.0 / np.sqrt(ENC_DIM))
    W2 = jax.random.normal(k4, (HIDDEN, HIDDEN), dtype=jnp.float32) * (1.0 / np.sqrt(HIDDEN))
    W3 = jax.random.normal(k5, (HIDDEN, OUT_DIM), dtype=jnp.float32) * (1.0 / np.sqrt(HIDDEN))
    return {"x": x, "tables": tables, "W1": W1, "W2": W2, "W3": W3}


def reference(x, tables, W1, W2, W3):
    xr = x.reshape(x.shape[0], IN_COORDS, 2)
    enc = [hash_grid_encode(xr[:, i], tables[i]) for i in range(IN_COORDS)]
    h = jnp.concatenate(enc, -1)
    h = jax.nn.relu(h @ W1)
    h = jax.nn.relu(h @ W2)
    out = h @ W3
    return (out[:, :-1], out[:, -1:])

if __name__ == "__main__":
    import jax
    _d = setup_inputs()
    print(jax.jit(kernel)(*tuple(_d.values())))

</pallas_src>

<mosaic_0001>
#map = affine_map<(d0, d1) -> (0)>
module attributes {stable_mosaic.version = 14 : i64} {
  func.func @encode(%arg0: i32, %arg1: i32, %arg2: memref<786432xf32, #tpu.memory_space<hbm>>, %arg3: memref<3145728xf32, #tpu.memory_space<hbm>>, %arg4: memref<16xf32, #tpu.memory_space<hbm>>, %arg5: memref<16xi32, #tpu.memory_space<hbm>>, %arg6: memref<12582912xf32, #tpu.memory_space<hbm>>, %arg7: memref<65536xf32, #tpu.memory_space<vmem>>, %arg8: memref<24576xf32, #tpu.memory_space<vmem>>, %arg9: memref<4096xf32, #tpu.memory_space<vmem>>, %arg10: memref<4096xf32, #tpu.memory_space<vmem>>, %arg11: memref<16xf32, #tpu.memory_space<vmem>>, %arg12: memref<16xi32, #tpu.memory_space<vmem>>) attributes {dimension_semantics = [#tpu.dimension_semantics<core_parallel>, #tpu.dimension_semantics<subcore_parallel>], iteration_bounds = array<i64: 2, 16>, scalar_prefetch = 0 : i64, scratch_operands = 6 : i64, tpu.core_type = #tpu.core_type<sc_vector_subcore>, window_params = [{transform_indices = #map}, {transform_indices = #map}, {transform_indices = #map}, {transform_indices = #map}, {transform_indices = #map}]} {
    "tpu.region"() ({
      %run_scoped3A = tpu.sem_alloc : memref<!tpu.dma_semaphore, #tpu.memory_space<semaphore_mem>>
      tpu.enqueue_dma source(%arg4 : memref<16xf32, #tpu.memory_space<hbm>>) target(%arg11 : memref<16xf32, #tpu.memory_space<vmem>>) target_semaphore(%run_scoped3A : memref<!tpu.dma_semaphore, #tpu.memory_space<semaphore_mem>>)
      tpu.wait_dma2 semaphore(%run_scoped3A : memref<!tpu.dma_semaphore, #tpu.memory_space<semaphore_mem>>) src(%arg4 : memref<16xf32, #tpu.memory_space<hbm>>) dst(%arg11 : memref<16xf32, #tpu.memory_space<vmem>>)
      tpu.yield
    }) : () -> ()
    "tpu.region"() ({
      %run_scoped3A = tpu.sem_alloc : memref<!tpu.dma_semaphore, #tpu.memory_space<semaphore_mem>>
      tpu.enqueue_dma source(%arg5 : memref<16xi32, #tpu.memory_space<hbm>>) target(%arg12 : memref<16xi32, #tpu.memory_space<vmem>>) target_semaphore(%run_scoped3A : memref<!tpu.dma_semaphore, #tpu.memory_space<semaphore_mem>>)
      tpu.wait_dma2 semaphore(%run_scoped3A : memref<!tpu.dma_semaphore, #tpu.memory_space<semaphore_mem>>) src(%arg5 : memref<16xi32, #tpu.memory_space<hbm>>) dst(%arg12 : memref<16xi32, #tpu.memory_space<vmem>>)
      tpu.yield
    }) : () -> ()
    %mul3A = arith.constant 2 : i32
    %mul3A_0 = arith.muli %arg1, %mul3A : i32
    %add3A = arith.addi %mul3A_0, %arg0 : i32
    %iota3A = tpu.iota {dimensions = array<i32: 0>} : vector<16xi32>
    %mul3A_1 = arith.constant 6 : i32
    %mul3A_2 = vector.broadcast %mul3A_1 : i32 to vector<16xi32>
    %mul3A_3 = arith.muli %iota3A, %mul3A_2 : vector<16xi32>
    %mul3A_4 = arith.constant 3 : i32
    %mul3A_5 = arith.muli %add3A, %mul3A_4 : i32
    %add3A_6 = arith.constant 0 : i32
    %add3A_7 = arith.addi %mul3A_5, %add3A_6 : i32
    %shift_right_arithmetic3A = arith.constant 1 : i32
    %shift_right_arithmetic3A_8 = arith.shrsi %add3A_7, %shift_right_arithmetic3A : i32
    %and3A = arith.constant 1 : i32
    %and3A_9 = arith.andi %add3A_7, %and3A : i32
    %shift_right_arithmetic3A_10 = arith.constant 4 : i32
    %shift_right_arithmetic3A_11 = arith.shrsi %shift_right_arithmetic3A_8, %shift_right_arithmetic3A_10 : i32
    %and3A_12 = arith.constant 15 : i32
    %and3A_13 = arith.andi %shift_right_arithmetic3A_8, %and3A_12 : i32
    %mul3A_14 = arith.constant 65536 : i32
    %mul3A_15 = arith.muli %and3A_9, %mul3A_14 : i32
    %mul3A_16 = arith.constant 65536 : i32
    %mul3A_17 = arith.muli %shift_right_arithmetic3A_8, %mul3A_16 : i32
    "tpu.region"() ({
      %run_scoped3A = tpu.sem_alloc : memref<!tpu.dma_semaphore, #tpu.memory_space<semaphore_mem>>
      %dma_start3A = tpu.memref_slice %arg3[%mul3A_17] : memref<3145728xf32, #tpu.memory_space<hbm>> -> memref<65536xf32, #tpu.memory_space<hbm>>
      %dma_start3A_114 = tpu.memref_slice %arg3[%mul3A_17] : memref<3145728xf32, #tpu.memory_space<hbm>> -> memref<65536xf32, #tpu.memory_space<hbm>>
      tpu.enqueue_dma source(%dma_start3A_114 : memref<65536xf32, #tpu.memory_space<hbm>>) target(%arg7 : memref<65536xf32, #tpu.memory_space<vmem>>) target_semaphore(%run_scoped3A : memref<!tpu.dma_semaphore, #tpu.memory_space<semaphore_mem>>)
      %dma_wait3A = tpu.memref_slice %arg3[%mul3A_17] : memref<3145728xf32, #tpu.memory_space<hbm>> -> memref<65536xf32, #tpu.memory_space<hbm>>
      %dma_wait3A_115 = tpu.memref_slice %arg3[%mul3A_17] : memref<3145728xf32, #tpu.memory_space<hbm>> -> memref<65536xf32, #tpu.memory_space<hbm>>
      tpu.wait_dma2 semaphore(%run_scoped3A : memref<!tpu.dma_semaphore, #tpu.memory_space<semaphore_mem>>) src(%dma_wait3A_115 : memref<65536xf32, #tpu.memory_space<hbm>>) dst(%arg7 : memref<65536xf32, #tpu.memory_space<vmem>>)
      tpu.yield
    }) : () -> ()
    %broadcast_in_dim3A = vector.broadcast %and3A_13 : i32 to vector<16xi32>
    %gather3A = tpu.vector_load_idx %arg11[%broadcast_in_dim3A] : memref<16xf32, #tpu.memory_space<vmem>>[vector<16xi32>], vector<16xf32>,
    %gather3A_18 = tpu.vector_load_idx %arg12[%broadcast_in_dim3A] : memref<16xi32, #tpu.memory_space<vmem>>[vector<16xi32>], vector<16xi32>,
    %sub3A = arith.constant 1 : i32
    %sub3A_19 = vector.broadcast %sub3A : i32 to vector<16xi32>
    %sub3A_20 = arith.subi %gather3A_18, %sub3A_19 : vector<16xi32>
    %mul3A_21 = arith.muli %gather3A_18, %gather3A_18 : vector<16xi32>
    %gt3A = arith.constant 32768 : i32
    %gt3A_22 = vector.broadcast %gt3A : i32 to vector<16xi32>
    %gt3A_23 = arith.cmpi sgt, %mul3A_21, %gt3A_22 : vector<16xi32>
    %mul3A_24 = arith.constant 2 : i32
    %mul3A_25 = arith.muli %shift_right_arithmetic3A_11, %mul3A_24 : i32
    %mul3A_26 = arith.constant 2 : i32
    %mul3A_27 = arith.muli %shift_right_arithmetic3A_8, %mul3A_26 : i32
    %mul3A_28 = arith.constant 131072 : i32
    %mul3A_29 = arith.muli %mul3A_27, %mul3A_28 : i32
    %add3A_30 = arith.addi %mul3A_29, %mul3A_15 : i32
    %scan3A = arith.constant 0 : i32
    %scan3A_31 = arith.constant 0 : i32
    %scan3A_32 = arith.constant 16 : i32
    %scan3A_33 = arith.addi %scan3A_31, %scan3A_32 : i32
    %scan3A_34 = arith.constant 1 : i32
    scf.for %scan3A_114 = %scan3A_31 to %scan3A_33 step %scan3A_34  : i32 {
      %mul3A_115 = arith.constant 4096 : i32
      %mul3A_116 = arith.muli %scan3A_114, %mul3A_115 : i32
      %add3A_117 = arith.addi %mul3A_15, %mul3A_116 : i32
      %mul3A_118 = arith.constant 6 : i32
      %mul3A_119 = arith.muli %add3A_117, %mul3A_118 : i32
      "tpu.region"() ({
        %run_scoped3A = tpu.sem_alloc : memref<!tpu.dma_semaphore, #tpu.memory_space<semaphore_mem>>
        %dma_start3A = tpu.memref_slice %arg2[%mul3A_119] : memref<786432xf32, #tpu.memory_space<hbm>> -> memref<24576xf32, #tpu.memory_space<hbm>>
        %dma_start3A_130 = tpu.memref_slice %arg2[%mul3A_119] : memref<786432xf32, #tpu.memory_space<hbm>> -> memref<24576xf32, #tpu.memory_space<hbm>>
        tpu.enqueue_dma source(%dma_start3A_130 : memref<24576xf32, #tpu.memory_space<hbm>>) target(%arg8 : memref<24576xf32, #tpu.memory_space<vmem>>) target_semaphore(%run_scoped3A : memref<!tpu.dma_semaphore, #tpu.memory_space<semaphore_mem>>)
        %dma_wait3A = tpu.memref_slice %arg2[%mul3A_119] : memref<786432xf32, #tpu.memory_space<hbm>> -> memref<24576xf32, #tpu.memory_space<hbm>>
        %dma_wait3A_131 = tpu.memref_slice %arg2[%mul3A_119] : memref<786432xf32, #tpu.memory_space<hbm>> -> memref<24576xf32, #tpu.memory_space<hbm>>
        tpu.wait_dma2 semaphore(%run_scoped3A : memref<!tpu.dma_semaphore, #tpu.memory_space<semaphore_mem>>) src(%dma_wait3A_131 : memref<24576xf32, #tpu.memory_space<hbm>>) dst(%arg8 : memref<24576xf32, #tpu.memory_space<vmem>>)
        tpu.yield
      }) : () -> ()
      %scan3A_120 = arith.constant 0 : i32
      %scan3A_121 = arith.constant 0 : i32
      %scan3A_122 = arith.constant 256 : i32
      %scan3A_123 = arith.addi %scan3A_121, %scan3A_122 : i32
      %scan3A_124 = arith.constant 1 : i32
      scf.for %scan3A_130 = %scan3A_121 to %scan3A_123 step %scan3A_124  : i32 {
        %mul3A_131 = arith.constant 16 : i32
        %mul3A_132 = arith.muli %scan3A_130, %mul3A_131 : i32
        %multiple_of3A = tpu.assume_multiple %mul3A_132, 16 : i32
        %mul3A_133 = arith.constant 96 : i32
        %mul3A_134 = arith.muli %scan3A_130, %mul3A_133 : i32
        %add3A_135 = arith.addi %mul3A_134, %mul3A_25 : i32
        %add3A_136 = vector.broadcast %add3A_135 : i32 to vector<16xi32>
        %add3A_137 = arith.addi %mul3A_3, %add3A_136 : vector<16xi32>
        %gather3A_138 = tpu.vector_load_idx %arg8[%add3A_137] : memref<24576xf32, #tpu.memory_space<vmem>>[vector<16xi32>], vector<16xf32>,
        %add3A_139 = arith.constant 1 : i32
        %add3A_140 = vector.broadcast %add3A_139 : i32 to vector<16xi32>
        %add3A_141 = arith.addi %add3A_137, %add3A_140 : vector<16xi32>
        %gather3A_142 = tpu.vector_load_idx %arg8[%add3A_141] : memref<24576xf32, #tpu.memory_space<vmem>>[vector<16xi32>], vector<16xf32>,
        %mul3A_143 = arith.mulf %gather3A_138, %gather3A : vector<16xf32>
        %add3A_144 = arith.constant 5.000000e-01 : f32
        %add3A_145 = vector.broadcast %add3A_144 : f32 to vector<16xf32>
        %add3A_146 = arith.addf %mul3A_143, %add3A_145 : vector<16xf32>
        %mul3A_147 = arith.mulf %gather3A_142, %gather3A : vector<16xf32>
        %add3A_148 = arith.constant 5.000000e-01 : f32
        %add3A_149 = vector.broadcast %add3A_148 : f32 to vector<16xf32>
        %add3A_150 = arith.addf %mul3A_147, %add3A_149 : vector<16xf32>
        %convert_element_type3A = arith.fptosi %add3A_146 : vector<16xf32> to vector<16xi32>
        %convert_element_type3A_151 = arith.fptosi %add3A_150 : vector<16xf32> to vector<16xi32>
        %convert_element_type3A_152 = arith.sitofp %convert_element_type3A : vector<16xi32> to vector<16xf32>
        %sub3A_153 = arith.subf %add3A_146, %convert_element_type3A_152 : vector<16xf32>
        %convert_element_type3A_154 = arith.sitofp %convert_element_type3A_151 : vector<16xi32> to vector<16xf32>
        %sub3A_155 = arith.subf %add3A_150, %convert_element_type3A_154 : vector<16xf32>
        %add3A_156 = arith.constant 1 : i32
        %add3A_157 = vector.broadcast %add3A_156 : i32 to vector<16xi32>
        %add3A_158 = arith.addi %convert_element_type3A, %add3A_157 : vector<16xi32>
        %min3A = arith.minsi %add3A_158, %sub3A_20 : vector<16xi32>
        %add3A_159 = arith.constant 1 : i32
        %add3A_160 = vector.broadcast %add3A_159 : i32 to vector<16xi32>
        %add3A_161 = arith.addi %convert_element_type3A_151, %add3A_160 : vector<16xi32>
        %min3A_162 = arith.minsi %add3A_161, %sub3A_20 : vector<16xi32>
        %sub3A_163 = arith.constant 1.000000e+00 : f32
        %sub3A_164 = vector.broadcast %sub3A_163 : f32 to vector<16xf32>
        %sub3A_165 = arith.subf %sub3A_164, %sub3A_153 : vector<16xf32>
        %sub3A_166 = arith.constant 1.000000e+00 : f32
        %sub3A_167 = vector.broadcast %sub3A_166 : f32 to vector<16xf32>
        %sub3A_168 = arith.subf %sub3A_167, %sub3A_155 : vector<16xf32>
        %broadcast_in_dim3A_169 = arith.constant 0.000000e+00 : f32
        %broadcast_in_dim3A_170 = vector.broadcast %broadcast_in_dim3A_169 : f32 to vector<16xf32>
        %broadcast_in_dim3A_171 = arith.constant 0.000000e+00 : f32
        %broadcast_in_dim3A_172 = vector.broadcast %broadcast_in_dim3A_171 : f32 to vector<16xf32>
        %mul3A_173 = arith.mulf %sub3A_165, %sub3A_168 : vector<16xf32>
        %mul3A_174 = arith.mulf %sub3A_165, %sub3A_155 : vector<16xf32>
        %mul3A_175 = arith.mulf %sub3A_153, %sub3A_168 : vector<16xf32>
        %mul3A_176 = arith.mulf %sub3A_153, %sub3A_155 : vector<16xf32>
        %mul3A_177 = arith.muli %convert_element_type3A, %gather3A_18 : vector<16xi32>
        %add3A_178 = arith.addi %mul3A_177, %convert_element_type3A_151 : vector<16xi32>
        %mul3A_179 = arith.constant -1640531535 : i32
        %mul3A_180 = vector.broadcast %mul3A_179 : i32 to vector<16xi32>
        %mul3A_181 = arith.muli %convert_element_type3A_151, %mul3A_180 : vector<16xi32>
        %xor3A = arith.xori %convert_element_type3A, %mul3A_181 : vector<16xi32>
        %and3A_182 = arith.constant 32767 : i32
        %and3A_183 = vector.broadcast %and3A_182 : i32 to vector<16xi32>
        %and3A_184 = arith.andi %xor3A, %and3A_183 : vector<16xi32>
        %select_n3A = arith.select %gt3A_23, %and3A_184, %add3A_178 : vector<16xi1>, vector<16xi32>
        %and3A_185 = arith.constant -128 : i32
        %and3A_186 = vector.broadcast %and3A_185 : i32 to vector<16xi32>
        %and3A_187 = arith.andi %select_n3A, %and3A_186 : vector<16xi32>
        %add3A_188 = arith.addi %select_n3A, %and3A_187 : vector<16xi32>
        %gather3A_189 = tpu.vector_load_idx %arg7[%add3A_188] : memref<65536xf32, #tpu.memory_space<vmem>>[vector<16xi32>], vector<16xf32>,
        %mul3A_190 = arith.mulf %mul3A_173, %gather3A_189 : vector<16xf32>
        %add3A_191 = arith.addf %broadcast_in_dim3A_170, %mul3A_190 : vector<16xf32>
        %add3A_192 = arith.constant 128 : i32
        %add3A_193 = vector.broadcast %add3A_192 : i32 to vector<16xi32>
        %add3A_194 = arith.addi %add3A_188, %add3A_193 : vector<16xi32>
        %gather3A_195 = tpu.vector_load_idx %arg7[%add3A_194] : memref<65536xf32, #tpu.memory_space<vmem>>[vector<16xi32>], vector<16xf32>,
        %mul3A_196 = arith.mulf %mul3A_173, %gather3A_195 : vector<16xf32>
        %add3A_197 = arith.addf %broadcast_in_dim3A_172, %mul3A_196 : vector<16xf32>
        %mul3A_198 = arith.muli %convert_element_type3A, %gather3A_18 : vector<16xi32>
        %add3A_199 = arith.addi %mul3A_198, %min3A_162 : vector<16xi32>
        %mul3A_200 = arith.constant -1640531535 : i32
        %mul3A_201 = vector.broadcast %mul3A_200 : i32 to vector<16xi32>
        %mul3A_202 = arith.muli %min3A_162, %mul3A_201 : vector<16xi32>
        %xor3A_203 = arith.xori %convert_element_type3A, %mul3A_202 : vector<16xi32>
        %and3A_204 = arith.constant 32767 : i32
        %and3A_205 = vector.broadcast %and3A_204 : i32 to vector<16xi32>
        %and3A_206 = arith.andi %xor3A_203, %and3A_205 : vector<16xi32>
        %select_n3A_207 = arith.select %gt3A_23, %and3A_206, %add3A_199 : vector<16xi1>, vector<16xi32>
        %and3A_208 = arith.constant -128 : i32
        %and3A_209 = vector.broadcast %and3A_208 : i32 to vector<16xi32>
        %and3A_210 = arith.andi %select_n3A_207, %and3A_209 : vector<16xi32>
        %add3A_211 = arith.addi %select_n3A_207, %and3A_210 : vector<16xi32>
        %gather3A_212 = tpu.vector_load_idx %arg7[%add3A_211] : memref<65536xf32, #tpu.memory_space<vmem>>[vector<16xi32>], vector<16xf32>,
        %mul3A_213 = arith.mulf %mul3A_174, %gather3A_212 : vector<16xf32>
        %add3A_214 = arith.addf %add3A_191, %mul3A_213 : vector<16xf32>
        %add3A_215 = arith.constant 128 : i32
        %add3A_216 = vector.broadcast %add3A_215 : i32 to vector<16xi32>
        %add3A_217 = arith.addi %add3A_211, %add3A_216 : vector<16xi32>
        %gather3A_218 = tpu.vector_load_idx %arg7[%add3A_217] : memref<65536xf32, #tpu.memory_space<vmem>>[vector<16xi32>], vector<16xf32>,
        %mul3A_219 = arith.mulf %mul3A_174, %gather3A_218 : vector<16xf32>
        %add3A_220 = arith.addf %add3A_197, %mul3A_219 : vector<16xf32>
        %mul3A_221 = arith.muli %min3A, %gather3A_18 : vector<16xi32>
        %add3A_222 = arith.addi %mul3A_221, %convert_element_type3A_151 : vector<16xi32>
        %mul3A_223 = arith.constant -1640531535 : i32
        %mul3A_224 = vector.broadcast %mul3A_223 : i32 to vector<16xi32>
        %mul3A_225 = arith.muli %convert_element_type3A_151, %mul3A_224 : vector<16xi32>
        %xor3A_226 = arith.xori %min3A, %mul3A_225 : vector<16xi32>
        %and3A_227 = arith.constant 32767 : i32
        %and3A_228 = vector.broadcast %and3A_227 : i32 to vector<16xi32>
        %and3A_229 = arith.andi %xor3A_226, %and3A_228 : vector<16xi32>
        %select_n3A_230 = arith.select %gt3A_23, %and3A_229, %add3A_222 : vector<16xi1>, vector<16xi32>
        %and3A_231 = arith.constant -128 : i32
        %and3A_232 = vector.broadcast %and3A_231 : i32 to vector<16xi32>
        %and3A_233 = arith.andi %select_n3A_230, %and3A_232 : vector<16xi32>
        %add3A_234 = arith.addi %select_n3A_230, %and3A_233 : vector<16xi32>
        %gather3A_235 = tpu.vector_load_idx %arg7[%add3A_234] : memref<65536xf32, #tpu.memory_space<vmem>>[vector<16xi32>], vector<16xf32>,
        %mul3A_236 = arith.mulf %mul3A_175, %gather3A_235 : vector<16xf32>
        %add3A_237 = arith.addf %add3A_214, %mul3A_236 : vector<16xf32>
        %add3A_238 = arith.constant 128 : i32
        %add3A_239 = vector.broadcast %add3A_238 : i32 to vector<16xi32>
        %add3A_240 = arith.addi %add3A_234, %add3A_239 : vector<16xi32>
        %gather3A_241 = tpu.vector_load_idx %arg7[%add3A_240] : memref<65536xf32, #tpu.memory_space<vmem>>[vector<16xi32>], vector<16xf32>,
        %mul3A_242 = arith.mulf %mul3A_175, %gather3A_241 : vector<16xf32>
        %add3A_243 = arith.addf %add3A_220, %mul3A_242 : vector<16xf32>
        %mul3A_244 = arith.muli %min3A, %gather3A_18 : vector<16xi32>
        %add3A_245 = arith.addi %mul3A_244, %min3A_162 : vector<16xi32>
        %mul3A_246 = arith.constant -1640531535 : i32
        %mul3A_247 = vector.broadcast %mul3A_246 : i32 to vector<16xi32>
        %mul3A_248 = arith.muli %min3A_162, %mul3A_247 : vector<16xi32>
        %xor3A_249 = arith.xori %min3A, %mul3A_248 : vector<16xi32>
        %and3A_250 = arith.constant 32767 : i32
        %and3A_251 = vector.broadcast %and3A_250 : i32 to vector<16xi32>
        %and3A_252 = arith.andi %xor3A_249, %and3A_251 : vector<16xi32>
        %select_n3A_253 = arith.select %gt3A_23, %and3A_252, %add3A_245 : vector<16xi1>, vector<16xi32>
        %and3A_254 = arith.constant -128 : i32
        %and3A_255 = vector.broadcast %and3A_254 : i32 to vector<16xi32>
        %and3A_256 = arith.andi %select_n3A_253, %and3A_255 : vector<16xi32>
        %add3A_257 = arith.addi %select_n3A_253, %and3A_256 : vector<16xi32>
        %gather3A_258 = tpu.vector_load_idx %arg7[%add3A_257] : memref<65536xf32, #tpu.memory_space<vmem>>[vector<16xi32>], vector<16xf32>,
        %mul3A_259 = arith.mulf %mul3A_176, %gather3A_258 : vector<16xf32>
        %add3A_260 = arith.addf %add3A_237, %mul3A_259 : vector<16xf32>
        %add3A_261 = arith.constant 128 : i32
        %add3A_262 = vector.broadcast %add3A_261 : i32 to vector<16xi32>
        %add3A_263 = arith.addi %add3A_257, %add3A_262 : vector<16xi32>
        %gather3A_264 = tpu.vector_load_idx %arg7[%add3A_263] : memref<65536xf32, #tpu.memory_space<vmem>>[vector<16xi32>], vector<16xf32>,
        %mul3A_265 = arith.mulf %mul3A_176, %gather3A_264 : vector<16xf32>
        %add3A_266 = arith.addf %add3A_243, %mul3A_265 : vector<16xf32>
        %swap3A = arith.index_cast %multiple_of3A : i32 to index
        %swap3A_267 = tpu.vector_load %arg9[%swap3A] {strides = array<i32>} : memref<4096xf32, #tpu.memory_space<vmem>>, vector<16xf32>,
        tpu.vector_store %arg9[%swap3A], %add3A_260 {strides = array<i32>} : memref<4096xf32, #tpu.memory_space<vmem>>, vector<16xf32>,
        %swap3A_268 = arith.index_cast %multiple_of3A : i32 to index
        %swap3A_269 = tpu.vector_load %arg10[%swap3A_268] {strides = array<i32>} : memref<4096xf32, #tpu.memory_space<vmem>>, vector<16xf32>,
        tpu.vector_store %arg10[%swap3A_268], %add3A_266 {strides = array<i32>} : memref<4096xf32, #tpu.memory_space<vmem>>, vector<16xf32>,
      }
      %scan3A_125 = arith.constant 256 : i32
      %add3A_126 = arith.addi %add3A_30, %mul3A_116 : i32
      "tpu.region"() ({
        %run_scoped3A = tpu.sem_alloc : memref<!tpu.dma_semaphore, #tpu.memory_space<semaphore_mem>>
        %dma_start3A = tpu.memref_slice %arg6[%add3A_126] : memref<12582912xf32, #tpu.memory_space<hbm>> -> memref<4096xf32, #tpu.memory_space<hbm>>
        %dma_start3A_130 = tpu.memref_slice %arg6[%add3A_126] : memref<12582912xf32, #tpu.memory_space<hbm>> -> memref<4096xf32, #tpu.memory_space<hbm>>
        tpu.enqueue_dma source(%arg9 : memref<4096xf32, #tpu.memory_space<vmem>>) target(%dma_start3A_130 : memref<4096xf32, #tpu.memory_space<hbm>>) target_semaphore(%run_scoped3A : memref<!tpu.dma_semaphore, #tpu.memory_space<semaphore_mem>>)
        %dma_wait3A = tpu.memref_slice %arg6[%add3A_126] : memref<12582912xf32, #tpu.memory_space<hbm>> -> memref<4096xf32, #tpu.memory_space<hbm>>
        %dma_wait3A_131 = tpu.memref_slice %arg6[%add3A_126] : memref<12582912xf32, #tpu.memory_space<hbm>> -> memref<4096xf32, #tpu.memory_space<hbm>>
        tpu.wait_dma2 semaphore(%run_scoped3A : memref<!tpu.dma_semaphore, #tpu.memory_space<semaphore_mem>>) src(%arg9 : memref<4096xf32, #tpu.memory_space<vmem>>) dst(%dma_wait3A_131 : memref<4096xf32, #tpu.memory_space<hbm>>)
        tpu.yield
      }) : () -> ()
      %add3A_127 = arith.constant 131072 : i32
      %add3A_128 = arith.addi %add3A_30, %add3A_127 : i32
      %add3A_129 = arith.addi %add3A_128, %mul3A_116 : i32
      "tpu.region"() ({
        %run_scoped3A = tpu.sem_alloc : memref<!tpu.dma_semaphore, #tpu.memory_space<semaphore_mem>>
        %dma_start3A = tpu.memref_slice %arg6[%add3A_129] : memref<12582912xf32, #tpu.memory_space<hbm>> -> memref<4096xf32, #tpu.memory_space<hbm>>
        %dma_start3A_130 = tpu.memref_slice %arg6[%add3A_129] : memref<12582912xf32, #tpu.memory_space<hbm>> -> memref<4096xf32, #tpu.memory_space<hbm>>
        tpu.enqueue_dma source(%arg10 : memref<4096xf32, #tpu.memory_space<vmem>>) target(%dma_start3A_130 : memref<4096xf32, #tpu.memory_space<hbm>>) target_semaphore(%run_scoped3A : memref<!tpu.dma_semaphore, #tpu.memory_space<semaphore_mem>>)
        %dma_wait3A = tpu.memref_slice %arg6[%add3A_129] : memref<12582912xf32, #tpu.memory_space<hbm>> -> memref<4096xf32, #tpu.memory_space<hbm>>
        %dma_wait3A_131 = tpu.memref_slice %arg6[%add3A_129] : memref<12582912xf32, #tpu.memory_space<hbm>> -> memref<4096xf32, #tpu.memory_space<hbm>>
        tpu.wait_dma2 semaphore(%run_scoped3A : memref<!tpu.dma_semaphore, #tpu.memory_space<semaphore_mem>>) src(%arg10 : memref<4096xf32, #tpu.memory_space<vmem>>) dst(%dma_wait3A_131 : memref<4096xf32, #tpu.memory_space<hbm>>)
        tpu.yield
      }) : () -> ()
    }
    %scan3A_35 = arith.constant 16 : i32
    %mul3A_36 = arith.constant 3 : i32
    %mul3A_37 = arith.muli %add3A, %mul3A_36 : i32
    %add3A_38 = arith.constant 1 : i32
    %add3A_39 = arith.addi %mul3A_37, %add3A_38 : i32
    %shift_right_arithmetic3A_40 = arith.constant 1 : i32
    %shift_right_arithmetic3A_41 = arith.shrsi %add3A_39, %shift_right_arithmetic3A_40 : i32
    %and3A_42 = arith.constant 1 : i32
    %and3A_43 = arith.andi %add3A_39, %and3A_42 : i32
    %shift_right_arithmetic3A_44 = arith.constant 4 : i32
    %shift_right_arithmetic3A_45 = arith.shrsi %shift_right_arithmetic3A_41, %shift_right_arithmetic3A_44 : i32
    %and3A_46 = arith.constant 15 : i32
    %and3A_47 = arith.andi %shift_right_arithmetic3A_41, %and3A_46 : i32
    %mul3A_48 = arith.constant 65536 : i32
    %mul3A_49 = arith.muli %and3A_43, %mul3A_48 : i32
    %mul3A_50 = arith.constant 65536 : i32
    %mul3A_51 = arith.muli %shift_right_arithmetic3A_41, %mul3A_50 : i32
    "tpu.region"() ({
      %run_scoped3A = tpu.sem_alloc : memref<!tpu.dma_semaphore, #tpu.memory_space<semaphore_mem>>
      %dma_start3A = tpu.memref_slice %arg3[%mul3A_51] : memref<3145728xf32, #tpu.memory_space<hbm>> -> memref<65536xf32, #tpu.memory_space<hbm>>
      %dma_start3A_114 = tpu.memref_slice %arg3[%mul3A_51] : memref<3145728xf32, #tpu.memory_space<hbm>> -> memref<65536xf32, #tpu.memory_space<hbm>>
      tpu.enqueue_dma source(%dma_start3A_114 : memref<65536xf32, #tpu.memory_space<hbm>>) target(%arg7 : memref<65536xf32, #tpu.memory_space<vmem>>) target_semaphore(%run_scoped3A : memref<!tpu.dma_semaphore, #tpu.memory_space<semaphore_mem>>)
      %dma_wait3A = tpu.memref_slice %arg3[%mul3A_51] : memref<3145728xf32, #tpu.memory_space<hbm>> -> memref<65536xf32, #tpu.memory_space<hbm>>
      %dma_wait3A_115 = tpu.memref_slice %arg3[%mul3A_51] : memref<3145728xf32, #tpu.memory_space<hbm>> -> memref<65536xf32, #tpu.memory_space<hbm>>
      tpu.wait_dma2 semaphore(%run_scoped3A : memref<!tpu.dma_semaphore, #tpu.memory_space<semaphore_mem>>) src(%dma_wait3A_115 : memref<65536xf32, #tpu.memory_space<hbm>>) dst(%arg7 : memref<65536xf32, #tpu.memory_space<vmem>>)
      tpu.yield
    }) : () -> ()
    %broadcast_in_dim3A_52 = vector.broadcast %and3A_47 : i32 to vector<16xi32>
    %gather3A_53 = tpu.vector_load_idx %arg11[%broadcast_in_dim3A_52] : memref<16xf32, #tpu.memory_space<vmem>>[vector<16xi32>], vector<16xf32>,
    %gather3A_54 = tpu.vector_load_idx %arg12[%broadcast_in_dim3A_52] : memref<16xi32, #tpu.memory_space<vmem>>[vector<16xi32>], vector<16xi32>,
    %sub3A_55 = arith.constant 1 : i32
    %sub3A_56 = vector.broadcast %sub3A_55 : i32 to vector<16xi32>
    %sub3A_57 = arith.subi %gather3A_54, %sub3A_56 : vector<16xi32>
    %mul3A_58 = arith.muli %gather3A_54, %gather3A_54 : vector<16xi32>
    %gt3A_59 = arith.constant 32768 : i32
    %gt3A_60 = vector.broadcast %gt3A_59 : i32 to vector<16xi32>
    %gt3A_61 = arith.cmpi sgt, %mul3A_58, %gt3A_60 : vector<16xi32>
    %mul3A_62 = arith.constant 2 : i32
    %mul3A_63 = arith.muli %shift_right_arithmetic3A_45, %mul3A_62 : i32
    %mul3A_64 = arith.constant 2 : i32
    %mul3A_65 = arith.muli %shift_right_arithmetic3A_41, %mul3A_64 : i32
    %mul3A_66 = arith.constant 131072 : i32
    %mul3A_67 = arith.muli %mul3A_65, %mul3A_66 : i32
    %add3A_68 = arith.addi %mul3A_67, %mul3A_49 : i32
    %scan3A_69 = arith.constant 0 : i32
    %scan3A_70 = arith.constant 0 : i32
    %scan3A_71 = arith.constant 16 : i32
    %scan3A_72 = arith.addi %scan3A_70, %scan3A_71 : i32
    %scan3A_73 = arith.constant 1 : i32
    scf.for %scan3A_114 = %scan3A_70 to %scan3A_72 step %scan3A_73  : i32 {
      %mul3A_115 = arith.constant 4096 : i32
      %mul3A_116 = arith.muli %scan3A_114, %mul3A_115 : i32
      %add3A_117 = arith.addi %mul3A_49, %mul3A_116 : i32
      %mul3A_118 = arith.constant 6 : i32
      %mul3A_119 = arith.muli %add3A_117, %mul3A_118 : i32
      "tpu.region"() ({
        %run_scoped3A = tpu.sem_alloc : memref<!tpu.dma_semaphore, #tpu.memory_space<semaphore_mem>>
        %dma_start3A = tpu.memref_slice %arg2[%mul3A_119] : memref<786432xf32, #tpu.memory_space<hbm>> -> memref<24576xf32, #tpu.memory_space<hbm>>
        %dma_start3A_130 = tpu.memref_slice %arg2[%mul3A_119] : memref<786432xf32, #tpu.memory_space<hbm>> -> memref<24576xf32, #tpu.memory_space<hbm>>
        tpu.enqueue_dma source(%dma_start3A_130 : memref<24576xf32, #tpu.memory_space<hbm>>) target(%arg8 : memref<24576xf32, #tpu.memory_space<vmem>>) target_semaphore(%run_scoped3A : memref<!tpu.dma_semaphore, #tpu.memory_space<semaphore_mem>>)
        %dma_wait3A = tpu.memref_slice %arg2[%mul3A_119] : memref<786432xf32, #tpu.memory_space<hbm>> -> memref<24576xf32, #tpu.memory_space<hbm>>
        %dma_wait3A_131 = tpu.memref_slice %arg2[%mul3A_119] : memref<786432xf32, #tpu.memory_space<hbm>> -> memref<24576xf32, #tpu.memory_space<hbm>>
        tpu.wait_dma2 semaphore(%run_scoped3A : memref<!tpu.dma_semaphore, #tpu.memory_space<semaphore_mem>>) src(%dma_wait3A_131 : memref<24576xf32, #tpu.memory_space<hbm>>) dst(%arg8 : memref<24576xf32, #tpu.memory_space<vmem>>)
        tpu.yield
      }) : () -> ()
      %scan3A_120 = arith.constant 0 : i32
      %scan3A_121 = arith.constant 0 : i32
      %scan3A_122 = arith.constant 256 : i32
      %scan3A_123 = arith.addi %scan3A_121, %scan3A_122 : i32
      %scan3A_124 = arith.constant 1 : i32
      scf.for %scan3A_130 = %scan3A_121 to %scan3A_123 step %scan3A_124  : i32 {
        %mul3A_131 = arith.constant 16 : i32
        %mul3A_132 = arith.muli %scan3A_130, %mul3A_131 : i32
        %multiple_of3A = tpu.assume_multiple %mul3A_132, 16 : i32
        %mul3A_133 = arith.constant 96 : i32
        %mul3A_134 = arith.muli %scan3A_130, %mul3A_133 : i32
        %add3A_135 = arith.addi %mul3A_134, %mul3A_63 : i32
        %add3A_136 = vector.broadcast %add3A_135 : i32 to vector<16xi32>
        %add3A_137 = arith.addi %mul3A_3, %add3A_136 : vector<16xi32>
        %gather3A_138 = tpu.vector_load_idx %arg8[%add3A_137] : memref<24576xf32, #tpu.memory_space<vmem>>[vector<16xi32>], vector<16xf32>,
        %add3A_139 = arith.constant 1 : i32
        %add3A_140 = vector.broadcast %add3A_139 : i32 to vector<16xi32>
        %add3A_141 = arith.addi %add3A_137, %add3A_140 : vector<16xi32>
        %gather3A_142 = tpu.vector_load_idx %arg8[%add3A_141] : memref<24576xf32, #tpu.memory_space<vmem>>[vector<16xi32>], vector<16xf32>,
        %mul3A_143 = arith.mulf %gather3A_138, %gather3A_53 : vector<16xf32>
        %add3A_144 = arith.constant 5.000000e-01 : f32
        %add3A_145 = vector.broadcast %add3A_144 : f32 to vector<16xf32>
        %add3A_146 = arith.addf %mul3A_143, %add3A_145 : vector<16xf32>
        %mul3A_147 = arith.mulf %gather3A_142, %gather3A_53 : vector<16xf32>
        %add3A_148 = arith.constant 5.000000e-01 : f32
        %add3A_149 = vector.broadcast %add3A_148 : f32 to vector<16xf32>
        %add3A_150 = arith.addf %mul3A_147, %add3A_149 : vector<16xf32>
        %convert_element_type3A = arith.fptosi %add3A_146 : vector<16xf32> to vector<16xi32>
        %convert_element_type3A_151 = arith.fptosi %add3A_150 : vector<16xf32> to vector<16xi32>
        %convert_element_type3A_152 = arith.sitofp %convert_element_type3A : vector<16xi32> to vector<16xf32>
        %sub3A_153 = arith.subf %add3A_146, %convert_element_type3A_152 : vector<16xf32>
        %convert_element_type3A_154 = arith.sitofp %convert_element_type3A_151 : vector<16xi32> to vector<16xf32>
        %sub3A_155 = arith.subf %add3A_150, %convert_element_type3A_154 : vector<16xf32>
        %add3A_156 = arith.constant 1 : i32
        %add3A_157 = vector.broadcast %add3A_156 : i32 to vector<16xi32>
        %add3A_158 = arith.addi %convert_element_type3A, %add3A_157 : vector<16xi32>
        %min3A = arith.minsi %add3A_158, %sub3A_57 : vector<16xi32>
        %add3A_159 = arith.constant 1 : i32
        %add3A_160 = vector.broadcast %add3A_159 : i32 to vector<16xi32>
        %add3A_161 = arith.addi %convert_element_type3A_151, %add3A_160 : vector<16xi32>
        %min3A_162 = arith.minsi %add3A_161, %sub3A_57 : vector<16xi32>
        %sub3A_163 = arith.constant 1.000000e+00 : f32
        %sub3A_164 = vector.broadcast %sub3A_163 : f32 to vector<16xf32>
        %sub3A_165 = arith.subf %sub3A_164, %sub3A_153 : vector<16xf32>
        %sub3A_166 = arith.constant 1.000000e+00 : f32
        %sub3A_167 = vector.broadcast %sub3A_166 : f32 to vector<16xf32>
        %sub3A_168 = arith.subf %sub3A_167, %sub3A_155 : vector<16xf32>
        %broadcast_in_dim3A_169 = arith.constant 0.000000e+00 : f32
        %broadcast_in_dim3A_170 = vector.broadcast %broadcast_in_dim3A_169 : f32 to vector<16xf32>
        %broadcast_in_dim3A_171 = arith.constant 0.000000e+00 : f32
        %broadcast_in_dim3A_172 = vector.broadcast %broadcast_in_dim3A_171 : f32 to vector<16xf32>
        %mul3A_173 = arith.mulf %sub3A_165, %sub3A_168 : vector<16xf32>
        %mul3A_174 = arith.mulf %sub3A_165, %sub3A_155 : vector<16xf32>
        %mul3A_175 = arith.mulf %sub3A_153, %sub3A_168 : vector<16xf32>
        %mul3A_176 = arith.mulf %sub3A_153, %sub3A_155 : vector<16xf32>
        %mul3A_177 = arith.muli %convert_element_type3A, %gather3A_54 : vector<16xi32>
        %add3A_178 = arith.addi %mul3A_177, %convert_element_type3A_151 : vector<16xi32>
        %mul3A_179 = arith.constant -1640531535 : i32
        %mul3A_180 = vector.broadcast %mul3A_179 : i32 to vector<16xi32>
        %mul3A_181 = arith.muli %convert_element_type3A_151, %mul3A_180 : vector<16xi32>
        %xor3A = arith.xori %convert_element_type3A, %mul3A_181 : vector<16xi32>
        %and3A_182 = arith.constant 32767 : i32
        %and3A_183 = vector.broadcast %and3A_182 : i32 to vector<16xi32>
        %and3A_184 = arith.andi %xor3A, %and3A_183 : vector<16xi32>
        %select_n3A = arith.select %gt3A_61, %and3A_184, %add3A_178 : vector<16xi1>, vector<16xi32>
        %and3A_185 = arith.constant -128 : i32
        %and3A_186 = vector.broadcast %and3A_185 : i32 to vector<16xi32>
        %and3A_187 = arith.andi %select_n3A, %and3A_186 : vector<16xi32>
        %add3A_188 = arith.addi %select_n3A, %and3A_187 : vector<16xi32>
        %gather3A_189 = tpu.vector_load_idx %arg7[%add3A_188] : memref<65536xf32, #tpu.memory_space<vmem>>[vector<16xi32>], vector<16xf32>,
        %mul3A_190 = arith.mulf %mul3A_173, %gather3A_189 : vector<16xf32>
        %add3A_191 = arith.addf %broadcast_in_dim3A_170, %mul3A_190 : vector<16xf32>
        %add3A_192 = arith.constant 128 : i32
        %add3A_193 = vector.broadcast %add3A_192 : i32 to vector<16xi32>
        %add3A_194 = arith.addi %add3A_188, %add3A_193 : vector<16xi32>
        %gather3A_195 = tpu.vector_load_idx %arg7[%add3A_194] : memref<65536xf32, #tpu.memory_space<vmem>>[vector<16xi32>], vector<16xf32>,
        %mul3A_196 = arith.mulf %mul3A_173, %gather3A_195 : vector<16xf32>
        %add3A_197 = arith.addf %broadcast_in_dim3A_172, %mul3A_196 : vector<16xf32>
        %mul3A_198 = arith.muli %convert_element_type3A, %gather3A_54 : vector<16xi32>
        %add3A_199 = arith.addi %mul3A_198, %min3A_162 : vector<16xi32>
        %mul3A_200 = arith.constant -1640531535 : i32
        %mul3A_201 = vector.broadcast %mul3A_200 : i32 to vector<16xi32>
        %mul3A_202 = arith.muli %min3A_162, %mul3A_201 : vector<16xi32>
        %xor3A_203 = arith.xori %convert_element_type3A, %mul3A_202 : vector<16xi32>
        %and3A_204 = arith.constant 32767 : i32
        %and3A_205 = vector.broadcast %and3A_204 : i32 to vector<16xi32>
        %and3A_206 = arith.andi %xor3A_203, %and3A_205 : vector<16xi32>
        %select_n3A_207 = arith.select %gt3A_61, %and3A_206, %add3A_199 : vector<16xi1>, vector<16xi32>
        %and3A_208 = arith.constant -128 : i32
        %and3A_209 = vector.broadcast %and3A_208 : i32 to vector<16xi32>
        %and3A_210 = arith.andi %select_n3A_207, %and3A_209 : vector<16xi32>
        %add3A_211 = arith.addi %select_n3A_207, %and3A_210 : vector<16xi32>
        %gather3A_212 = tpu.vector_load_idx %arg7[%add3A_211] : memref<65536xf32, #tpu.memory_space<vmem>>[vector<16xi32>], vector<16xf32>,
        %mul3A_213 = arith.mulf %mul3A_174, %gather3A_212 : vector<16xf32>
        %add3A_214 = arith.addf %add3A_191, %mul3A_213 : vector<16xf32>
        %add3A_215 = arith.constant 128 : i32
        %add3A_216 = vector.broadcast %add3A_215 : i32 to vector<16xi32>
        %add3A_217 = arith.addi %add3A_211, %add3A_216 : vector<16xi32>
        %gather3A_218 = tpu.vector_load_idx %arg7[%add3A_217] : memref<65536xf32, #tpu.memory_space<vmem>>[vector<16xi32>], vector<16xf32>,
        %mul3A_219 = arith.mulf %mul3A_174, %gather3A_218 : vector<16xf32>
        %add3A_220 = arith.addf %add3A_197, %mul3A_219 : vector<16xf32>
        %mul3A_221 = arith.muli %min3A, %gather3A_54 : vector<16xi32>
        %add3A_222 = arith.addi %mul3A_221, %convert_element_type3A_151 : vector<16xi32>
        %mul3A_223 = arith.constant -1640531535 : i32
        %mul3A_224 = vector.broadcast %mul3A_223 : i32 to vector<16xi32>
        %mul3A_225 = arith.muli %convert_element_type3A_151, %mul3A_224 : vector<16xi32>
        %xor3A_226 = arith.xori %min3A, %mul3A_225 : vector<16xi32>
        %and3A_227 = arith.constant 32767 : i32
        %and3A_228 = vector.broadcast %and3A_227 : i32 to vector<16xi32>
        %and3A_229 = arith.andi %xor3A_226, %and3A_228 : vector<16xi32>
        %select_n3A_230 = arith.select %gt3A_61, %and3A_229, %add3A_222 : vector<16xi1>, vector<16xi32>
        %and3A_231 = arith.constant -128 : i32
        %and3A_232 = vector.broadcast %and3A_231 : i32 to vector<16xi32>
        %and3A_233 = arith.andi %select_n3A_230, %and3A_232 : vector<16xi32>
        %add3A_234 = arith.addi %select_n3A_230, %and3A_233 : vector<16xi32>
        %gather3A_235 = tpu.vector_load_idx %arg7[%add3A_234] : memref<65536xf32, #tpu.memory_space<vmem>>[vector<16xi32>], vector<16xf32>,
        %mul3A_236 = arith.mulf %mul3A_175, %gather3A_235 : vector<16xf32>
        %add3A_237 = arith.addf %add3A_214, %mul3A_236 : vector<16xf32>
        %add3A_238 = arith.constant 128 : i32
        %add3A_239 = vector.broadcast %add3A_238 : i32 to vector<16xi32>
        %add3A_240 = arith.addi %add3A_234, %add3A_239 : vector<16xi32>
        %gather3A_241 = tpu.vector_load_idx %arg7[%add3A_240] : memref<65536xf32, #tpu.memory_space<vmem>>[vector<16xi32>], vector<16xf32>,
        %mul3A_242 = arith.mulf %mul3A_175, %gather3A_241 : vector<16xf32>
        %add3A_243 = arith.addf %add3A_220, %mul3A_242 : vector<16xf32>
        %mul3A_244 = arith.muli %min3A, %gather3A_54 : vector<16xi32>
        %add3A_245 = arith.addi %mul3A_244, %min3A_162 : vector<16xi32>
        %mul3A_246 = arith.constant -1640531535 : i32
        %mul3A_247 = vector.broadcast %mul3A_246 : i32 to vector<16xi32>
        %mul3A_248 = arith.muli %min3A_162, %mul3A_247 : vector<16xi32>
        %xor3A_249 = arith.xori %min3A, %mul3A_248 : vector<16xi32>
        %and3A_250 = arith.constant 32767 : i32
        %and3A_251 = vector.broadcast %and3A_250 : i32 to vector<16xi32>
        %and3A_252 = arith.andi %xor3A_249, %and3A_251 : vector<16xi32>
        %select_n3A_253 = arith.select %gt3A_61, %and3A_252, %add3A_245 : vector<16xi1>, vector<16xi32>
        %and3A_254 = arith.constant -128 : i32
        %and3A_255 = vector.broadcast %and3A_254 : i32 to vector<16xi32>
        %and3A_256 = arith.andi %select_n3A_253, %and3A_255 : vector<16xi32>
        %add3A_257 = arith.addi %select_n3A_253, %and3A_256 : vector<16xi32>
        %gather3A_258 = tpu.vector_load_idx %arg7[%add3A_257] : memref<65536xf32, #tpu.memory_space<vmem>>[vector<16xi32>], vector<16xf32>,
        %mul3A_259 = arith.mulf %mul3A_176, %gather3A_258 : vector<16xf32>
        %add3A_260 = arith.addf %add3A_237, %mul3A_259 : vector<16xf32>
        %add3A_261 = arith.constant 128 : i32
        %add3A_262 = vector.broadcast %add3A_261 : i32 to vector<16xi32>
        %add3A_263 = arith.addi %add3A_257, %add3A_262 : vector<16xi32>
        %gather3A_264 = tpu.vector_load_idx %arg7[%add3A_263] : memref<65536xf32, #tpu.memory_space<vmem>>[vector<16xi32>], vector<16xf32>,
        %mul3A_265 = arith.mulf %mul3A_176, %gather3A_264 : vector<16xf32>
        %add3A_266 = arith.addf %add3A_243, %mul3A_265 : vector<16xf32>
        %swap3A = arith.index_cast %multiple_of3A : i32 to index
        %swap3A_267 = tpu.vector_load %arg9[%swap3A] {strides = array<i32>} : memref<4096xf32, #tpu.memory_space<vmem>>, vector<16xf32>,
        tpu.vector_store %arg9[%swap3A], %add3A_260 {strides = array<i32>} : memref<4096xf32, #tpu.memory_space<vmem>>, vector<16xf32>,
        %swap3A_268 = arith.index_cast %multiple_of3A : i32 to index
        %swap3A_269 = tpu.vector_load %arg10[%swap3A_268] {strides = array<i32>} : memref<4096xf32, #tpu.memory_space<vmem>>, vector<16xf32>,
        tpu.vector_store %arg10[%swap3A_268], %add3A_266 {strides = array<i32>} : memref<4096xf32, #tpu.memory_space<vmem>>, vector<16xf32>,
      }
      %scan3A_125 = arith.constant 256 : i32
      %add3A_126 = arith.addi %add3A_68, %mul3A_116 : i32
      "tpu.region"() ({
        %run_scoped3A = tpu.sem_alloc : memref<!tpu.dma_semaphore, #tpu.memory_space<semaphore_mem>>
        %dma_start3A = tpu.memref_slice %arg6[%add3A_126] : memref<12582912xf32, #tpu.memory_space<hbm>> -> memref<4096xf32, #tpu.memory_space<hbm>>
        %dma_start3A_130 = tpu.memref_slice %arg6[%add3A_126] : memref<12582912xf32, #tpu.memory_space<hbm>> -> memref<4096xf32, #tpu.memory_space<hbm>>
        tpu.enqueue_dma source(%arg9 : memref<4096xf32, #tpu.memory_space<vmem>>) target(%dma_start3A_130 : memref<4096xf32, #tpu.memory_space<hbm>>) target_semaphore(%run_scoped3A : memref<!tpu.dma_semaphore, #tpu.memory_space<semaphore_mem>>)
        %dma_wait3A = tpu.memref_slice %arg6[%add3A_126] : memref<12582912xf32, #tpu.memory_space<hbm>> -> memref<4096xf32, #tpu.memory_space<hbm>>
        %dma_wait3A_131 = tpu.memref_slice %arg6[%add3A_126] : memref<12582912xf32, #tpu.memory_space<hbm>> -> memref<4096xf32, #tpu.memory_space<hbm>>
        tpu.wait_dma2 semaphore(%run_scoped3A : memref<!tpu.dma_semaphore, #tpu.memory_space<semaphore_mem>>) src(%arg9 : memref<4096xf32, #tpu.memory_space<vmem>>) dst(%dma_wait3A_131 : memref<4096xf32, #tpu.memory_space<hbm>>)
        tpu.yield
      }) : () -> ()
      %add3A_127 = arith.constant 131072 : i32
      %add3A_128 = arith.addi %add3A_68, %add3A_127 : i32
      %add3A_129 = arith.addi %add3A_128, %mul3A_116 : i32
      "tpu.region"() ({
        %run_scoped3A = tpu.sem_alloc : memref<!tpu.dma_semaphore, #tpu.memory_space<semaphore_mem>>
        %dma_start3A = tpu.memref_slice %arg6[%add3A_129] : memref<12582912xf32, #tpu.memory_space<hbm>> -> memref<4096xf32, #tpu.memory_space<hbm>>
        %dma_start3A_130 = tpu.memref_slice %arg6[%add3A_129] : memref<12582912xf32, #tpu.memory_space<hbm>> -> memref<4096xf32, #tpu.memory_space<hbm>>
        tpu.enqueue_dma source(%arg10 : memref<4096xf32, #tpu.memory_space<vmem>>) target(%dma_start3A_130 : memref<4096xf32, #tpu.memory_space<hbm>>) target_semaphore(%run_scoped3A : memref<!tpu.dma_semaphore, #tpu.memory_space<semaphore_mem>>)
        %dma_wait3A = tpu.memref_slice %arg6[%add3A_129] : memref<12582912xf32, #tpu.memory_space<hbm>> -> memref<4096xf32, #tpu.memory_space<hbm>>
        %dma_wait3A_131 = tpu.memref_slice %arg6[%add3A_129] : memref<12582912xf32, #tpu.memory_space<hbm>> -> memref<4096xf32, #tpu.memory_space<hbm>>
        tpu.wait_dma2 semaphore(%run_scoped3A : memref<!tpu.dma_semaphore, #tpu.memory_space<semaphore_mem>>) src(%arg10 : memref<4096xf32, #tpu.memory_space<vmem>>) dst(%dma_wait3A_131 : memref<4096xf32, #tpu.memory_space<hbm>>)
        tpu.yield
      }) : () -> ()
    }
    %scan3A_74 = arith.constant 16 : i32
    %mul3A_75 = arith.constant 3 : i32
    %mul3A_76 = arith.muli %add3A, %mul3A_75 : i32
    %add3A_77 = arith.constant 2 : i32
    %add3A_78 = arith.addi %mul3A_76, %add3A_77 : i32
    %shift_right_arithmetic3A_79 = arith.constant 1 : i32
    %shift_right_arithmetic3A_80 = arith.shrsi %add3A_78, %shift_right_arithmetic3A_79 : i32
    %and3A_81 = arith.constant 1 : i32
    %and3A_82 = arith.andi %add3A_78, %and3A_81 : i32
    %shift_right_arithmetic3A_83 = arith.constant 4 : i32
    %shift_right_arithmetic3A_84 = arith.shrsi %shift_right_arithmetic3A_80, %shift_right_arithmetic3A_83 : i32
    %and3A_85 = arith.constant 15 : i32
    %and3A_86 = arith.andi %shift_right_arithmetic3A_80, %and3A_85 : i32
    %mul3A_87 = arith.constant 65536 : i32
    %mul3A_88 = arith.muli %and3A_82, %mul3A_87 : i32
    %mul3A_89 = arith.constant 65536 : i32
    %mul3A_90 = arith.muli %shift_right_arithmetic3A_80, %mul3A_89 : i32
    "tpu.region"() ({
      %run_scoped3A = tpu.sem_alloc : memref<!tpu.dma_semaphore, #tpu.memory_space<semaphore_mem>>
      %dma_start3A = tpu.memref_slice %arg3[%mul3A_90] : memref<3145728xf32, #tpu.memory_space<hbm>> -> memref<65536xf32, #tpu.memory_space<hbm>>
      %dma_start3A_114 = tpu.memref_slice %arg3[%mul3A_90] : memref<3145728xf32, #tpu.memory_space<hbm>> -> memref<65536xf32, #tpu.memory_space<hbm>>
      tpu.enqueue_dma source(%dma_start3A_114 : memref<65536xf32, #tpu.memory_space<hbm>>) target(%arg7 : memref<65536xf32, #tpu.memory_space<vmem>>) target_semaphore(%run_scoped3A : memref<!tpu.dma_semaphore, #tpu.memory_space<semaphore_mem>>)
      %dma_wait3A = tpu.memref_slice %arg3[%mul3A_90] : memref<3145728xf32, #tpu.memory_space<hbm>> -> memref<65536xf32, #tpu.memory_space<hbm>>
      %dma_wait3A_115 = tpu.memref_slice %arg3[%mul3A_90] : memref<3145728xf32, #tpu.memory_space<hbm>> -> memref<65536xf32, #tpu.memory_space<hbm>>
      tpu.wait_dma2 semaphore(%run_scoped3A : memref<!tpu.dma_semaphore, #tpu.memory_space<semaphore_mem>>) src(%dma_wait3A_115 : memref<65536xf32, #tpu.memory_space<hbm>>) dst(%arg7 : memref<65536xf32, #tpu.memory_space<vmem>>)
      tpu.yield
    }) : () -> ()
    %broadcast_in_dim3A_91 = vector.broadcast %and3A_86 : i32 to vector<16xi32>
    %gather3A_92 = tpu.vector_load_idx %arg11[%broadcast_in_dim3A_91] : memref<16xf32, #tpu.memory_space<vmem>>[vector<16xi32>], vector<16xf32>,
    %gather3A_93 = tpu.vector_load_idx %arg12[%broadcast_in_dim3A_91] : memref<16xi32, #tpu.memory_space<vmem>>[vector<16xi32>], vector<16xi32>,
    %sub3A_94 = arith.constant 1 : i32
    %sub3A_95 = vector.broadcast %sub3A_94 : i32 to vector<16xi32>
    %sub3A_96 = arith.subi %gather3A_93, %sub3A_95 : vector<16xi32>
    %mul3A_97 = arith.muli %gather3A_93, %gather3A_93 : vector<16xi32>
    %gt3A_98 = arith.constant 32768 : i32
    %gt3A_99 = vector.broadcast %gt3A_98 : i32 to vector<16xi32>
    %gt3A_100 = arith.cmpi sgt, %mul3A_97, %gt3A_99 : vector<16xi32>
    %mul3A_101 = arith.constant 2 : i32
    %mul3A_102 = arith.muli %shift_right_arithmetic3A_84, %mul3A_101 : i32
    %mul3A_103 = arith.constant 2 : i32
    %mul3A_104 = arith.muli %shift_right_arithmetic3A_80, %mul3A_103 : i32
    %mul3A_105 = arith.constant 131072 : i32
    %mul3A_106 = arith.muli %mul3A_104, %mul3A_105 : i32
    %add3A_107 = arith.addi %mul3A_106, %mul3A_88 : i32
    %scan3A_108 = arith.constant 0 : i32
    %scan3A_109 = arith.constant 0 : i32
    %scan3A_110 = arith.constant 16 : i32
    %scan3A_111 = arith.addi %scan3A_109, %scan3A_110 : i32
    %scan3A_112 = arith.constant 1 : i32
    scf.for %scan3A_114 = %scan3A_109 to %scan3A_111 step %scan3A_112  : i32 {
      %mul3A_115 = arith.constant 4096 : i32
      %mul3A_116 = arith.muli %scan3A_114, %mul3A_115 : i32
      %add3A_117 = arith.addi %mul3A_88, %mul3A_116 : i32
      %mul3A_118 = arith.constant 6 : i32
      %mul3A_119 = arith.muli %add3A_117, %mul3A_118 : i32
      "tpu.region"() ({
        %run_scoped3A = tpu.sem_alloc : memref<!tpu.dma_semaphore, #tpu.memory_space<semaphore_mem>>
        %dma_start3A = tpu.memref_slice %arg2[%mul3A_119] : memref<786432xf32, #tpu.memory_space<hbm>> -> memref<24576xf32, #tpu.memory_space<hbm>>
        %dma_start3A_130 = tpu.memref_slice %arg2[%mul3A_119] : memref<786432xf32, #tpu.memory_space<hbm>> -> memref<24576xf32, #tpu.memory_space<hbm>>
        tpu.enqueue_dma source(%dma_start3A_130 : memref<24576xf32, #tpu.memory_space<hbm>>) target(%arg8 : memref<24576xf32, #tpu.memory_space<vmem>>) target_semaphore(%run_scoped3A : memref<!tpu.dma_semaphore, #tpu.memory_space<semaphore_mem>>)
        %dma_wait3A = tpu.memref_slice %arg2[%mul3A_119] : memref<786432xf32, #tpu.memory_space<hbm>> -> memref<24576xf32, #tpu.memory_space<hbm>>
        %dma_wait3A_131 = tpu.memref_slice %arg2[%mul3A_119] : memref<786432xf32, #tpu.memory_space<hbm>> -> memref<24576xf32, #tpu.memory_space<hbm>>
        tpu.wait_dma2 semaphore(%run_scoped3A : memref<!tpu.dma_semaphore, #tpu.memory_space<semaphore_mem>>) src(%dma_wait3A_131 : memref<24576xf32, #tpu.memory_space<hbm>>) dst(%arg8 : memref<24576xf32, #tpu.memory_space<vmem>>)
        tpu.yield
      }) : () -> ()
      %scan3A_120 = arith.constant 0 : i32
      %scan3A_121 = arith.constant 0 : i32
      %scan3A_122 = arith.constant 256 : i32
      %scan3A_123 = arith.addi %scan3A_121, %scan3A_122 : i32
      %scan3A_124 = arith.constant 1 : i32
      scf.for %scan3A_130 = %scan3A_121 to %scan3A_123 step %scan3A_124  : i32 {
        %mul3A_131 = arith.constant 16 : i32
        %mul3A_132 = arith.muli %scan3A_130, %mul3A_131 : i32
        %multiple_of3A = tpu.assume_multiple %mul3A_132, 16 : i32
        %mul3A_133 = arith.constant 96 : i32
        %mul3A_134 = arith.muli %scan3A_130, %mul3A_133 : i32
        %add3A_135 = arith.addi %mul3A_134, %mul3A_102 : i32
        %add3A_136 = vector.broadcast %add3A_135 : i32 to vector<16xi32>
        %add3A_137 = arith.addi %mul3A_3, %add3A_136 : vector<16xi32>
        %gather3A_138 = tpu.vector_load_idx %arg8[%add3A_137] : memref<24576xf32, #tpu.memory_space<vmem>>[vector<16xi32>], vector<16xf32>,
        %add3A_139 = arith.constant 1 : i32
        %add3A_140 = vector.broadcast %add3A_139 : i32 to vector<16xi32>
        %add3A_141 = arith.addi %add3A_137, %add3A_140 : vector<16xi32>
        %gather3A_142 = tpu.vector_load_idx %arg8[%add3A_141] : memref<24576xf32, #tpu.memory_space<vmem>>[vector<16xi32>], vector<16xf32>,
        %mul3A_143 = arith.mulf %gather3A_138, %gather3A_92 : vector<16xf32>
        %add3A_144 = arith.constant 5.000000e-01 : f32
        %add3A_145 = vector.broadcast %add3A_144 : f32 to vector<16xf32>
        %add3A_146 = arith.addf %mul3A_143, %add3A_145 : vector<16xf32>
        %mul3A_147 = arith.mulf %gather3A_142, %gather3A_92 : vector<16xf32>
        %add3A_148 = arith.constant 5.000000e-01 : f32
        %add3A_149 = vector.broadcast %add3A_148 : f32 to vector<16xf32>
        %add3A_150 = arith.addf %mul3A_147, %add3A_149 : vector<16xf32>
        %convert_element_type3A = arith.fptosi %add3A_146 : vector<16xf32> to vector<16xi32>
        %convert_element_type3A_151 = arith.fptosi %add3A_150 : vector<16xf32> to vector<16xi32>
        %convert_element_type3A_152 = arith.sitofp %convert_element_type3A : vector<16xi32> to vector<16xf32>
        %sub3A_153 = arith.subf %add3A_146, %convert_element_type3A_152 : vector<16xf32>
        %convert_element_type3A_154 = arith.sitofp %convert_element_type3A_151 : vector<16xi32> to vector<16xf32>
        %sub3A_155 = arith.subf %add3A_150, %convert_element_type3A_154 : vector<16xf32>
        %add3A_156 = arith.constant 1 : i32
        %add3A_157 = vector.broadcast %add3A_156 : i32 to vector<16xi32>
        %add3A_158 = arith.addi %convert_element_type3A, %add3A_157 : vector<16xi32>
        %min3A = arith.minsi %add3A_158, %sub3A_96 : vector<16xi32>
        %add3A_159 = arith.constant 1 : i32
        %add3A_160 = vector.broadcast %add3A_159 : i32 to vector<16xi32>
        %add3A_161 = arith.addi %convert_element_type3A_151, %add3A_160 : vector<16xi32>
        %min3A_162 = arith.minsi %add3A_161, %sub3A_96 : vector<16xi32>
        %sub3A_163 = arith.constant 1.000000e+00 : f32
        %sub3A_164 = vector.broadcast %sub3A_163 : f32 to vector<16xf32>
        %sub3A_165 = arith.subf %sub3A_164, %sub3A_153 : vector<16xf32>
        %sub3A_166 = arith.constant 1.000000e+00 : f32
        %sub3A_167 = vector.broadcast %sub3A_166 : f32 to vector<16xf32>
        %sub3A_168 = arith.subf %sub3A_167, %sub3A_155 : vector<16xf32>
        %broadcast_in_dim3A_169 = arith.constant 0.000000e+00 : f32
        %broadcast_in_dim3A_170 = vector.broadcast %broadcast_in_dim3A_169 : f32 to vector<16xf32>
        %broadcast_in_dim3A_171 = arith.constant 0.000000e+00 : f32
        %broadcast_in_dim3A_172 = vector.broadcast %broadcast_in_dim3A_171 : f32 to vector<16xf32>
        %mul3A_173 = arith.mulf %sub3A_165, %sub3A_168 : vector<16xf32>
        %mul3A_174 = arith.mulf %sub3A_165, %sub3A_155 : vector<16xf32>
        %mul3A_175 = arith.mulf %sub3A_153, %sub3A_168 : vector<16xf32>
        %mul3A_176 = arith.mulf %sub3A_153, %sub3A_155 : vector<16xf32>
        %mul3A_177 = arith.muli %convert_element_type3A, %gather3A_93 : vector<16xi32>
        %add3A_178 = arith.addi %mul3A_177, %convert_element_type3A_151 : vector<16xi32>
        %mul3A_179 = arith.constant -1640531535 : i32
        %mul3A_180 = vector.broadcast %mul3A_179 : i32 to vector<16xi32>
        %mul3A_181 = arith.muli %convert_element_type3A_151, %mul3A_180 : vector<16xi32>
        %xor3A = arith.xori %convert_element_type3A, %mul3A_181 : vector<16xi32>
        %and3A_182 = arith.constant 32767 : i32
        %and3A_183 = vector.broadcast %and3A_182 : i32 to vector<16xi32>
        %and3A_184 = arith.andi %xor3A, %and3A_183 : vector<16xi32>
        %select_n3A = arith.select %gt3A_100, %and3A_184, %add3A_178 : vector<16xi1>, vector<16xi32>
        %and3A_185 = arith.constant -128 : i32
        %and3A_186 = vector.broadcast %and3A_185 : i32 to vector<16xi32>
        %and3A_187 = arith.andi %select_n3A, %and3A_186 : vector<16xi32>
        %add3A_188 = arith.addi %select_n3A, %and3A_187 : vector<16xi32>
        %gather3A_189 = tpu.vector_load_idx %arg7[%add3A_188] : memref<65536xf32, #tpu.memory_space<vmem>>[vector<16xi32>], vector<16xf32>,
        %mul3A_190 = arith.mulf %mul3A_173, %gather3A_189 : vector<16xf32>
        %add3A_191 = arith.addf %broadcast_in_dim3A_170, %mul3A_190 : vector<16xf32>
        %add3A_192 = arith.constant 128 : i32
        %add3A_193 = vector.broadcast %add3A_192 : i32 to vector<16xi32>
        %add3A_194 = arith.addi %add3A_188, %add3A_193 : vector<16xi32>
        %gather3A_195 = tpu.vector_load_idx %arg7[%add3A_194] : memref<65536xf32, #tpu.memory_space<vmem>>[vector<16xi32>], vector<16xf32>,
        %mul3A_196 = arith.mulf %mul3A_173, %gather3A_195 : vector<16xf32>
        %add3A_197 = arith.addf %broadcast_in_dim3A_172, %mul3A_196 : vector<16xf32>
        %mul3A_198 = arith.muli %convert_element_type3A, %gather3A_93 : vector<16xi32>
        %add3A_199 = arith.addi %mul3A_198, %min3A_162 : vector<16xi32>
        %mul3A_200 = arith.constant -1640531535 : i32
        %mul3A_201 = vector.broadcast %mul3A_200 : i32 to vector<16xi32>
        %mul3A_202 = arith.muli %min3A_162, %mul3A_201 : vector<16xi32>
        %xor3A_203 = arith.xori %convert_element_type3A, %mul3A_202 : vector<16xi32>
        %and3A_204 = arith.constant 32767 : i32
        %and3A_205 = vector.broadcast %and3A_204 : i32 to vector<16xi32>
        %and3A_206 = arith.andi %xor3A_203, %and3A_205 : vector<16xi32>
        %select_n3A_207 = arith.select %gt3A_100, %and3A_206, %add3A_199 : vector<16xi1>, vector<16xi32>
        %and3A_208 = arith.constant -128 : i32
        %and3A_209 = vector.broadcast %and3A_208 : i32 to vector<16xi32>
        %and3A_210 = arith.andi %select_n3A_207, %and3A_209 : vector<16xi32>
        %add3A_211 = arith.addi %select_n3A_207, %and3A_210 : vector<16xi32>
        %gather3A_212 = tpu.vector_load_idx %arg7[%add3A_211] : memref<65536xf32, #tpu.memory_space<vmem>>[vector<16xi32>], vector<16xf32>,
        %mul3A_213 = arith.mulf %mul3A_174, %gather3A_212 : vector<16xf32>
        %add3A_214 = arith.addf %add3A_191, %mul3A_213 : vector<16xf32>
        %add3A_215 = arith.constant 128 : i32
        %add3A_216 = vector.broadcast %add3A_215 : i32 to vector<16xi32>
        %add3A_217 = arith.addi %add3A_211, %add3A_216 : vector<16xi32>
        %gather3A_218 = tpu.vector_load_idx %arg7[%add3A_217] : memref<65536xf32, #tpu.memory_space<vmem>>[vector<16xi32>], vector<16xf32>,
        %mul3A_219 = arith.mulf %mul3A_174, %gather3A_218 : vector<16xf32>
        %add3A_220 = arith.addf %add3A_197, %mul3A_219 : vector<16xf32>
        %mul3A_221 = arith.muli %min3A, %gather3A_93 : vector<16xi32>
        %add3A_222 = arith.addi %mul3A_221, %convert_element_type3A_151 : vector<16xi32>
        %mul3A_223 = arith.constant -1640531535 : i32
        %mul3A_224 = vector.broadcast %mul3A_223 : i32 to vector<16xi32>
        %mul3A_225 = arith.muli %convert_element_type3A_151, %mul3A_224 : vector<16xi32>
        %xor3A_226 = arith.xori %min3A, %mul3A_225 : vector<16xi32>
        %and3A_227 = arith.constant 32767 : i32
        %and3A_228 = vector.broadcast %and3A_227 : i32 to vector<16xi32>
        %and3A_229 = arith.andi %xor3A_226, %and3A_228 : vector<16xi32>
        %select_n3A_230 = arith.select %gt3A_100, %and3A_229, %add3A_222 : vector<16xi1>, vector<16xi32>
        %and3A_231 = arith.constant -128 : i32
        %and3A_232 = vector.broadcast %and3A_231 : i32 to vector<16xi32>
        %and3A_233 = arith.andi %select_n3A_230, %and3A_232 : vector<16xi32>
        %add3A_234 = arith.addi %select_n3A_230, %and3A_233 : vector<16xi32>
        %gather3A_235 = tpu.vector_load_idx %arg7[%add3A_234] : memref<65536xf32, #tpu.memory_space<vmem>>[vector<16xi32>], vector<16xf32>,
        %mul3A_236 = arith.mulf %mul3A_175, %gather3A_235 : vector<16xf32>
        %add3A_237 = arith.addf %add3A_214, %mul3A_236 : vector<16xf32>
        %add3A_238 = arith.constant 128 : i32
        %add3A_239 = vector.broadcast %add3A_238 : i32 to vector<16xi32>
        %add3A_240 = arith.addi %add3A_234, %add3A_239 : vector<16xi32>
        %gather3A_241 = tpu.vector_load_idx %arg7[%add3A_240] : memref<65536xf32, #tpu.memory_space<vmem>>[vector<16xi32>], vector<16xf32>,
        %mul3A_242 = arith.mulf %mul3A_175, %gather3A_241 : vector<16xf32>
        %add3A_243 = arith.addf %add3A_220, %mul3A_242 : vector<16xf32>
        %mul3A_244 = arith.muli %min3A, %gather3A_93 : vector<16xi32>
        %add3A_245 = arith.addi %mul3A_244, %min3A_162 : vector<16xi32>
        %mul3A_246 = arith.constant -1640531535 : i32
        %mul3A_247 = vector.broadcast %mul3A_246 : i32 to vector<16xi32>
        %mul3A_248 = arith.muli %min3A_162, %mul3A_247 : vector<16xi32>
        %xor3A_249 = arith.xori %min3A, %mul3A_248 : vector<16xi32>
        %and3A_250 = arith.constant 32767 : i32
        %and3A_251 = vector.broadcast %and3A_250 : i32 to vector<16xi32>
        %and3A_252 = arith.andi %xor3A_249, %and3A_251 : vector<16xi32>
        %select_n3A_253 = arith.select %gt3A_100, %and3A_252, %add3A_245 : vector<16xi1>, vector<16xi32>
        %and3A_254 = arith.constant -128 : i32
        %and3A_255 = vector.broadcast %and3A_254 : i32 to vector<16xi32>
        %and3A_256 = arith.andi %select_n3A_253, %and3A_255 : vector<16xi32>
        %add3A_257 = arith.addi %select_n3A_253, %and3A_256 : vector<16xi32>
        %gather3A_258 = tpu.vector_load_idx %arg7[%add3A_257] : memref<65536xf32, #tpu.memory_space<vmem>>[vector<16xi32>], vector<16xf32>,
        %mul3A_259 = arith.mulf %mul3A_176, %gather3A_258 : vector<16xf32>
        %add3A_260 = arith.addf %add3A_237, %mul3A_259 : vector<16xf32>
        %add3A_261 = arith.constant 128 : i32
        %add3A_262 = vector.broadcast %add3A_261 : i32 to vector<16xi32>
        %add3A_263 = arith.addi %add3A_257, %add3A_262 : vector<16xi32>
        %gather3A_264 = tpu.vector_load_idx %arg7[%add3A_263] : memref<65536xf32, #tpu.memory_space<vmem>>[vector<16xi32>], vector<16xf32>,
        %mul3A_265 = arith.mulf %mul3A_176, %gather3A_264 : vector<16xf32>
        %add3A_266 = arith.addf %add3A_243, %mul3A_265 : vector<16xf32>
        %swap3A = arith.index_cast %multiple_of3A : i32 to index
        %swap3A_267 = tpu.vector_load %arg9[%swap3A] {strides = array<i32>} : memref<4096xf32, #tpu.memory_space<vmem>>, vector<16xf32>,
        tpu.vector_store %arg9[%swap3A], %add3A_260 {strides = array<i32>} : memref<4096xf32, #tpu.memory_space<vmem>>, vector<16xf32>,
        %swap3A_268 = arith.index_cast %multiple_of3A : i32 to index
        %swap3A_269 = tpu.vector_load %arg10[%swap3A_268] {strides = array<i32>} : memref<4096xf32, #tpu.memory_space<vmem>>, vector<16xf32>,
        tpu.vector_store %arg10[%swap3A_268], %add3A_266 {strides = array<i32>} : memref<4096xf32, #tpu.memory_space<vmem>>, vector<16xf32>,
      }
      %scan3A_125 = arith.constant 256 : i32
      %add3A_126 = arith.addi %add3A_107, %mul3A_116 : i32
      "tpu.region"() ({
        %run_scoped3A = tpu.sem_alloc : memref<!tpu.dma_semaphore, #tpu.memory_space<semaphore_mem>>
        %dma_start3A = tpu.memref_slice %arg6[%add3A_126] : memref<12582912xf32, #tpu.memory_space<hbm>> -> memref<4096xf32, #tpu.memory_space<hbm>>
        %dma_start3A_130 = tpu.memref_slice %arg6[%add3A_126] : memref<12582912xf32, #tpu.memory_space<hbm>> -> memref<4096xf32, #tpu.memory_space<hbm>>
        tpu.enqueue_dma source(%arg9 : memref<4096xf32, #tpu.memory_space<vmem>>) target(%dma_start3A_130 : memref<4096xf32, #tpu.memory_space<hbm>>) target_semaphore(%run_scoped3A : memref<!tpu.dma_semaphore, #tpu.memory_space<semaphore_mem>>)
        %dma_wait3A = tpu.memref_slice %arg6[%add3A_126] : memref<12582912xf32, #tpu.memory_space<hbm>> -> memref<4096xf32, #tpu.memory_space<hbm>>
        %dma_wait3A_131 = tpu.memref_slice %arg6[%add3A_126] : memref<12582912xf32, #tpu.memory_space<hbm>> -> memref<4096xf32, #tpu.memory_space<hbm>>
        tpu.wait_dma2 semaphore(%run_scoped3A : memref<!tpu.dma_semaphore, #tpu.memory_space<semaphore_mem>>) src(%arg9 : memref<4096xf32, #tpu.memory_space<vmem>>) dst(%dma_wait3A_131 : memref<4096xf32, #tpu.memory_space<hbm>>)
        tpu.yield
      }) : () -> ()
      %add3A_127 = arith.constant 131072 : i32
      %add3A_128 = arith.addi %add3A_107, %add3A_127 : i32
      %add3A_129 = arith.addi %add3A_128, %mul3A_116 : i32
      "tpu.region"() ({
        %run_scoped3A = tpu.sem_alloc : memref<!tpu.dma_semaphore, #tpu.memory_space<semaphore_mem>>
        %dma_start3A = tpu.memref_slice %arg6[%add3A_129] : memref<12582912xf32, #tpu.memory_space<hbm>> -> memref<4096xf32, #tpu.memory_space<hbm>>
        %dma_start3A_130 = tpu.memref_slice %arg6[%add3A_129] : memref<12582912xf32, #tpu.memory_space<hbm>> -> memref<4096xf32, #tpu.memory_space<hbm>>
        tpu.enqueue_dma source(%arg10 : memref<4096xf32, #tpu.memory_space<vmem>>) target(%dma_start3A_130 : memref<4096xf32, #tpu.memory_space<hbm>>) target_semaphore(%run_scoped3A : memref<!tpu.dma_semaphore, #tpu.memory_space<semaphore_mem>>)
        %dma_wait3A = tpu.memref_slice %arg6[%add3A_129] : memref<12582912xf32, #tpu.memory_space<hbm>> -> memref<4096xf32, #tpu.memory_space<hbm>>
        %dma_wait3A_131 = tpu.memref_slice %arg6[%add3A_129] : memref<12582912xf32, #tpu.memory_space<hbm>> -> memref<4096xf32, #tpu.memory_space<hbm>>
        tpu.wait_dma2 semaphore(%run_scoped3A : memref<!tpu.dma_semaphore, #tpu.memory_space<semaphore_mem>>) src(%arg10 : memref<4096xf32, #tpu.memory_space<vmem>>) dst(%dma_wait3A_131 : memref<4096xf32, #tpu.memory_space<hbm>>)
        tpu.yield
      }) : () -> ()
    }
    %scan3A_113 = arith.constant 16 : i32
    return
  }
}

module attributes {stable_mosaic.version = 14 : i64} {
  func.func @body(%arg0: i32, %arg1: memref<96x1024xf32, #tpu.memory_space<vmem>>, %arg2: memref<64x96xf32, #tpu.memory_space<vmem>>, %arg3: memref<64x64xf32, #tpu.memory_space<vmem>>, %arg4: memref<64x8xf32, #tpu.memory_space<vmem>>, %arg5: memref<1024x4xf32, #tpu.memory_space<vmem>>, %arg6: memref<1024x1xf32, #tpu.memory_space<vmem>>) attributes {dimension_semantics = [#tpu.dimension_semantics<arbitrary>], iteration_bounds = array<i64: 128>, scalar_prefetch = 0 : i64, scratch_operands = 0 : i64, tpu.core_type = #tpu.core_type<tc>, window_params = [{transform_indices = @transform_0, window_bounds = array<i64: 96, 1024>}, {pipeline_mode = #tpu.pipeline_mode<synchronous>, transform_indices = @transform_1, window_bounds = array<i64: 64, 96>}, {pipeline_mode = #tpu.pipeline_mode<synchronous>, transform_indices = @transform_2, window_bounds = array<i64: 64, 64>}, {pipeline_mode = #tpu.pipeline_mode<synchronous>, transform_indices = @transform_3, window_bounds = array<i64: 64, 8>}, {transform_indices = @transform_4, window_bounds = array<i64: 1024, 4>}, {transform_indices = @transform_5, window_bounds = array<i64: 1024, 1>}]} {
    %get3A = arith.constant 0 : index
    %get3A_0 = arith.constant 0 : index
    %get3A_1 = vector.load %arg2[%get3A, %get3A_0] : memref<64x96xf32, #tpu.memory_space<vmem>>, vector<64x96xf32>
    %get3A_2 = arith.constant 0 : index
    %get3A_3 = arith.constant 0 : index
    %get3A_4 = vector.load %arg1[%get3A_2, %get3A_3] : memref<96x1024xf32, #tpu.memory_space<vmem>>, vector<96x1024xf32>
    %dot_general3A = arith.constant dense<0.000000e+00> : vector<64x1024xf32>
    %dot_general3A_5 = tpu.matmul %get3A_1, %get3A_4, %dot_general3A {dimension_numbers = #tpu.dot_dimension_numbers<[1], [0], [0], [1], [0, 0, 1, 1], [], []>, transpose_lhs_hint = false} : vector<64x96xf32>, vector<96x1024xf32>, vector<64x1024xf32> -> vector<64x1024xf32>
    %max3A = arith.constant 0.000000e+00 : f32
    %max3A_6 = vector.broadcast %max3A : f32 to vector<64x1024xf32>
    %max3A_7 = arith.maximumf %dot_general3A_5, %max3A_6 : vector<64x1024xf32>
    %get3A_8 = arith.constant 0 : index
    %get3A_9 = arith.constant 0 : index
    %get3A_10 = vector.load %arg3[%get3A_8, %get3A_9] : memref<64x64xf32, #tpu.memory_space<vmem>>, vector<64x64xf32>
    %dot_general3A_11 = arith.constant dense<0.000000e+00> : vector<64x1024xf32>
    %dot_general3A_12 = tpu.matmul %get3A_10, %max3A_7, %dot_general3A_11 {dimension_numbers = #tpu.dot_dimension_numbers<[1], [0], [0], [1], [0, 0, 1, 1], [], []>, transpose_lhs_hint = false} : vector<64x64xf32>, vector<64x1024xf32>, vector<64x1024xf32> -> vector<64x1024xf32>
    %max3A_13 = arith.constant 0.000000e+00 : f32
    %max3A_14 = vector.broadcast %max3A_13 : f32 to vector<64x1024xf32>
    %max3A_15 = arith.maximumf %dot_general3A_12, %max3A_14 : vector<64x1024xf32>
    %get3A_16 = arith.constant 0 : index
    %get3A_17 = arith.constant 0 : index
    %get3A_18 = vector.load %arg4[%get3A_16, %get3A_17] : memref<64x8xf32, #tpu.memory_space<vmem>>, vector<64x8xf32>
    %dot_general3A_19 = arith.constant dense<0.000000e+00> : vector<1024x8xf32>
    %dot_general3A_20 = tpu.matmul %max3A_15, %get3A_18, %dot_general3A_19 {dimension_numbers = #tpu.dot_dimension_numbers<[0], [0], [1], [1], [0, 1, 1, 1], [], []>, transpose_lhs_hint = false} : vector<64x1024xf32>, vector<64x8xf32>, vector<1024x8xf32> -> vector<1024x8xf32>
    %slice3A = vector.extract_strided_slice %dot_general3A_20 {offsets = [0, 0], sizes = [1024, 4], strides = [1, 1]} : vector<1024x8xf32> to vector<1024x4xf32>
    %swap3A = arith.constant 0 : index
    %swap3A_21 = arith.constant 0 : index
    %swap3A_22 = vector.load %arg5[%swap3A, %swap3A_21] : memref<1024x4xf32, #tpu.memory_space<vmem>>, vector<1024x4xf32>
    tpu.vector_store %arg5[%swap3A, %swap3A_21], %slice3A {strides = array<i32>} : memref<1024x4xf32, #tpu.memory_space<vmem>>, vector<1024x4xf32>,
    %slice3A_23 = vector.extract_strided_slice %dot_general3A_20 {offsets = [0, 4], sizes = [1024, 1], strides = [1, 1]} : vector<1024x8xf32> to vector<1024x1xf32>
    %swap3A_24 = arith.constant 0 : index
    %swap3A_25 = arith.constant 0 : index
    %swap3A_26 = vector.load %arg6[%swap3A_24, %swap3A_25] : memref<1024x1xf32, #tpu.memory_space<vmem>>, vector<1024x1xf32>
    tpu.vector_store %arg6[%swap3A_24, %swap3A_25], %slice3A_23 {strides = array<i32>} : memref<1024x1xf32, #tpu.memory_space<vmem>>, vector<1024x1xf32>,
    return
  }
  func.func @transform_0(%arg0: i32) -> (i32, i32) {
    %c0_i32 = arith.constant 0 : i32
    %c0_i32_0 = arith.constant 0 : i32
    return %c0_i32, %arg0 : i32, i32
  }
  func.func @transform_1(%arg0: i32) -> (i32, i32) {
    %c0_i32 = arith.constant 0 : i32
    %c0_i32_0 = arith.constant 0 : i32
    %c0_i32_1 = arith.constant 0 : i32
    return %c0_i32, %c0_i32_0 : i32, i32
  }
  func.func @transform_2(%arg0: i32) -> (i32, i32) {
    %c0_i32 = arith.constant 0 : i32
    %c0_i32_0 = arith.constant 0 : i32
    %c0_i32_1 = arith.constant 0 : i32
    return %c0_i32, %c0_i32_0 : i32, i32
  }
  func.func @transform_3(%arg0: i32) -> (i32, i32) {
    %c0_i32 = arith.constant 0 : i32
    %c0_i32_0 = arith.constant 0 : i32
    %c0_i32_1 = arith.constant 0 : i32
    return %c0_i32, %c0_i32_0 : i32, i32
  }
  func.func @transform_4(%arg0: i32) -> (i32, i32) {
    %c0_i32 = arith.constant 0 : i32
    %c0_i32_0 = arith.constant 0 : i32
    return %arg0, %c0_i32 : i32, i32
  }
  func.func @transform_5(%arg0: i32) -> (i32, i32) {
    %c0_i32 = arith.constant 0 : i32
    %c0_i32_0 = arith.constant 0 : i32
    return %arg0, %c0_i32 : i32, i32
  }
}

</mosaic_0001>

<sc_bundles>
// kernel: kernel.4.cloned.1.call-start
scs
__scs_entry_jumppad:
0x0: {  	(pc) =	sbr.rel $0x88, $3  }
0x1: {  	(tag) =	ssettag $0x0;
	lr =	simm.s32 $0x1  }
0x2: {  	[smem:$0x3F9C] =	sst lr;
	_ =	strace $0xD0000000  }
0x3: {  	_ = 	snop  }
0x4: {  	_ = 	snop  }
0x5: {  	_ = 	snop  }
0x6: {  	_ = 	snop  }
0x7: {  	_ = 	snop  }
__scs_overlays_trampoline_lowered:
0x8: {  	[smem:$0x3FAB] =	sst s0  }
0x9: {  	[smem:$0x3FAC] =	sst s1  }
0xa: {  	[smem:$0x3FAD] =	sst s2  }
0xb: {  	[smem:$0x3FAE] =	sst s3  }
0xc: {  	[smem:$0x3FAF] =	sst s4  }
0xd: {  	[smem:$0x3FB0] =	sst s5  }
0xe: {  	[smem:$0x3FB1] =	sst s6  }
0xf: {  	[smem:$0x3FB2] =	sst s7  }
0x10: {  	[smem:$0x3FB3] =	sst s8  }
0x11: {  	[smem:$0x3FB4] =	sst s9;
	s0 =	simm.s32 @!p0 $0x0  }
0x12: {  	s1 =	sld [smem:$0x3F9A];
	s0 =	simm.s32 @p0 $0x1  }
0x13: {  	[smem:$0x3FB5] =	sst s0;
	s0 =	simm.s32 @!p1 $0x0  }
0x14: {  	s2 =	sld [smem:$0x3F99];
	s0 =	simm.s32 @p1 $0x1  }
0x15: {  	[smem:$0x3FB6] =	sst s0;
	s0 =	simm.s32 @!p2 $0x0  }
0x16: {  	s3 =	sld [smem:$0x3FDB];
	s0 =	simm.s32 @p2 $0x1  }
0x17: {  	s4 =	simm.s32 $0x1BF5;
	[smem:$0x3FB8] =	sst s0  }
0x18: {  	s0 =	sld [smem:$0x3F9B];
	_ =	swait.ge [sflag:s4], $0x0  }
0x19: {  	s7 =	sld [smem:$0x3F9C]  }
0x1a: {  	s8 =	sadd.s32 $0xFFFFE003, lr  }
0x1b: {  	s9 =	sadd.s32 $0xFFFFFEF7, lr;
	s5 =	simm.s32 $0xFFFFFFFF;
	p2 =	slt.u32 s8, $0xFFFFF086  }
0x1c: {  	p1 =	slt.u32 s9, $0xF7A;
	s5 =	simm.s32 @!p2 $0x0  }
0x1d: {  	s5 =	simm.s32 @p1 $0x1;
	p0 =	seq.s32 s7, s2  }
0x1e: {  	s7 =	smul.u32 @!p0 $0xF7A, s2;
	p2 =	seq.s32 @!p0 s5, $0x0  }
0x1f: {  	s9 =	smul.u32 $0xF7A, s1;
	s8 =	simm.s32 @!p0 $0x1BF5;
	p2 =	por !p2, p0  }
0x20: {  	[sflag:s8] =	ssyncset.s32 @!p0 $0xFFFFF086;
	s6 =	sadd.s32 @!p0 s3, s7;
	s7 =	simm.s32 @!p0 $0x108  }
0x21: {  	s3 =	sadd.s32 s3, s9;
	s6 =	sadd.s32 @!p0 $0x88, s6;
	s7 =	simm.s32 @p2 $0x1082  }
0x22: {  	[simem:s7], [sflag:s8] =	dma.local @!p0 [hbm:s6], $0xF7A  }
0x23: {  	s9 =	sor.u32 $0xD0000000, s2;
	s6 =	simm.s32 $0x108;
	_ =	swait.ge @!p0 [sflag:s8], $0x0  }
0x24: {  	s3 =	sadd.s32 $0x88, s3;
	s6 =	simm.s32 @!p1 $0x1082;
	[sflag:s4] =	ssyncset.s32 $0xFFFFF086  }
0x25: {  	[simem:s6], [sflag:s4] =	dma.local [hbm:s3], $0xF7A  }
0x26: {  	[smem:$0x3F9C] =	sst s1;
	(tag) =	ssettag s2;
	_ =	strace s9  }
0x27: {  	s1 =	sld [smem:$0x3FAC]  }
0x28: {  	s2 =	sld [smem:$0x3FAD]  }
0x29: {  	s4 =	sld [smem:$0x3FAF]  }
0x2a: {  	p0 =	seq.s32 s5, $0x0;
	s5 =	sld [smem:$0x3FB0]  }
0x2b: {  	s6 =	sld [smem:$0x3FB1]  }
0x2c: {  	s7 =	sld [smem:$0x3FB2]  }
0x2d: {  	s3 =	simm.s32 $0x108;
	s8 =	sld [smem:$0x3FB3]  }
0x2e: {  	s3 =	simm.s32 @!p0 $0x1082;
	s9 =	sld [smem:$0x3FB4]  }
0x2f: {  	lr =	sadd.s32 s0, s3;
	s0 =	sld [smem:$0x3FAB]  }
0x30: {  	s3 =	sld [smem:$0x3FAE]  }
0x31: {  	[smem:$0x3FB7] =	sst s10  }
0x32: {  	s10 =	sld [smem:$0x3FB5];
	_ =	sdelay $0x3  }
0x33: {  	p0 =	seq.s32 s10, $0x1;
	s10 =	sld [smem:$0x3FB7];
	_ =	sdelay $0x3  }
0x34: {  	[smem:$0x3FB7] =	sst s10  }
0x35: {  	s10 =	sld [smem:$0x3FB6];
	_ =	sdelay $0x3  }
0x36: {  	p1 =	seq.s32 s10, $0x1;
	s10 =	sld [smem:$0x3FB7];
	_ =	sdelay $0x3  }
0x37: {  	[smem:$0x3FB7] =	sst s10  }
0x38: {  	s10 =	sld [smem:$0x3FB8]  }
0x39: {  	_ = 	snop;
	(pc) =	sbr.ind lr, $3  }
0x3a: {  	_ = 	snop  }
0x3b: {  	_ = 	snop  }
0x3c: {  	p2 =	seq.s32 s10, $0x1;
	s10 =	sld [smem:$0x3FB7]  }
0x3d: {  	_ =	shalt  }
0x3e: {  	_ =	shalt  }
0x3f: {  	_ =	shalt  }
0x40: {  	_ =	shalt  }
0x41: {  	_ =	shalt  }
0x42: {  	_ =	shalt  }
0x43: {  	_ =	shalt  }
0x44: {  	_ =	shalt  }
0x45: {  	_ =	shalt  }
0x46: {  	_ =	shalt  }
0x47: {  	_ =	shalt  }
0x48: {  	_ =	shalt  }
0x49: {  	_ =	shalt  }
0x4a: {  	_ =	shalt  }
0x4b: {  	_ =	shalt  }
0x4c: {  	_ =	shalt  }
0x4d: {  	_ =	shalt  }
0x4e: {  	_ =	shalt  }
0x4f: {  	_ =	shalt  }
0x50: {  	_ =	shalt  }
0x51: {  	_ =	shalt  }
0x52: {  	_ =	shalt  }
0x53: {  	_ =	shalt  }
0x54: {  	_ =	shalt  }
0x55: {  	_ =	shalt  }
0x56: {  	_ =	shalt  }
0x57: {  	_ =	shalt  }
0x58: {  	_ =	shalt  }
0x59: {  	_ =	shalt  }
0x5a: {  	_ =	shalt  }
0x5b: {  	_ =	shalt  }
0x5c: {  	_ =	shalt  }
0x5d: {  	_ =	shalt  }
0x5e: {  	_ =	shalt  }
0x5f: {  	_ =	shalt  }
0x60: {  	_ =	shalt  }
0x61: {  	_ =	shalt  }
0x62: {  	_ =	shalt  }
0x63: {  	_ =	shalt  }
0x64: {  	_ =	shalt  }
0x65: {  	_ =	shalt  }
0x66: {  	_ =	shalt  }
0x67: {  	_ =	shalt  }
0x68: {  	_ =	shalt  }
0x69: {  	_ =	shalt  }
0x6a: {  	_ =	shalt  }
0x6b: {  	_ =	shalt  }
0x6c: {  	_ =	shalt  }
0x6d: {  	_ =	shalt  }
0x6e: {  	_ =	shalt  }
0x6f: {  	_ =	shalt  }
0x70: {  	_ =	shalt  }
0x71: {  	_ =	shalt  }
0x72: {  	_ =	shalt  }
0x73: {  	_ =	shalt  }
0x74: {  	_ =	shalt  }
0x75: {  	_ =	shalt  }
0x76: {  	_ =	shalt  }
0x77: {  	_ =	shalt  }
0x78: {  	_ =	shalt  }
0x79: {  	_ =	shalt  }
0x7a: {  	_ =	shalt  }
0x7b: {  	_ =	shalt  }
0x7c: {  	_ =	shalt  }
0x7d: {  	_ =	shalt  }
0x7e: {  	_ =	shalt  }
0x7f: {  	_ =	shalt  }
0x80: {  	_ =	shalt  }
0x81: {  	_ =	shalt  }
0x82: {  	_ =	shalt  }
0x83: {  	_ =	shalt  }
0x84: {  	_ =	shalt  }
0x85: {  	_ =	shalt  }
0x86: {  	_ =	shalt  }
0x87: {  	_ =	shalt  }
.Lfunc_end0:
.L_simem_size_0:
called_computation_lowered:
.L_overlay_start_0:
0x88: {  	s2 =	sld [smem:$0x3FD9]  }
0x89: {  	s3 =	sld [smem:$0x3FFE];
	_ =	sdelay $0x1  }
0x8a: {  	s1 =	srdreg.scid  }
0x8b: {  	s0 =	sand.u32 $0x1, s1  }
0x8c: {  	s14 =	sshll.u32 s0, $0xA;
	s2 =	sadd.s32 s3, s2  }
0x8d: {  	s2 =	sadd.s32 s2, s14  }
0x8e: {  	[smem:$0x3FC3] =	sst s2  }
0x8f: {  	_ = 	snop  }
0x90: {  	s2 =	sld [smem:$0x3FD0];
	_ =	sdelay $0x2  }
0x91: {  	s4 =	simm.s32 $0xA;
	s5 =	simm.s32 $0x10;
	s15 =	sld [smem:$0x3FC8]  }
0x92: {  	[smem:s5], [sflag:s4] =	dma.local [hbm:s2], $0x1  }
0x93: {  	_ =	swait.eq [sflag:s4], $0x1  }
0x94: {  	[sflag:s4] =	ssyncset.done $0x0  }
0x95: {  	s16 =	sld [smem:$0x10];
	[sflag:s4] =	ssyncadd.s32 $0xFFFFFFFF  }
0x96: {  	s17 =	sld [smem:$0x11];
	(tm) =	ssettm $0x1  }
0x97: {  	s18 =	sld [smem:$0x3FFB];
	_ =	sdelay $0x3  }
0x98: {  	_ =	strace s18  }
0x99: {  	s5 =	sld [smem:$0x3FFC];
	_ =	sdelay $0x3  }
0x9a: {  	_ =	strace s5  }
0x9b: {  	s5 =	sld [smem:$0x3FFD];
	_ =	sdelay $0x3  }
0x9c: {  	_ =	strace s5  }
0x9d: {  	_ =	strace $0x8FFFFFFF  }
0x9e: {  	s19 =	sld [smem:$0x3FDB];
	_ =	sdelay $0x1  }
0x9f: {  	s6 =	simm.s32 $_scs_section_size  }
0xa0: {  	s7 =	simm.s32 $_size__tile_overlayer_lowered;
	s8 =	simm.s32 $_tile_overlayer_lowered  }
0xa1: {  	s22 =	simm.s32 $0x1BFF;
	s21 =	sshll.u32 s8, $0x1;
	s5 =	sadd.s32 s6, s19  }
0xa2: {  	s9 =	simm.s32 $0x0;
	s20 =	sshll.u32 s7, $0x1;
	s7 =	sadd.s32 s21, s5  }
0xa3: {  	[timem:s9], [sflag:s22] =	dma.local [hbm:s7], s20  }
0xa4: {  	_ =	swait.ge [sflag:s22], s20  }
0xa5: {  	s6 =	ssub.s32 $0x0, s20;
	[sflag:s22] =	ssyncset.done $0x0  }
0xa6: {  	[sflag:s22] =	ssyncadd.s32 s6;
	_ =	sdelay $0x1  }
0xa7: {  	s23 =	simm.s32 $0x1B8B  }
0xa8: {  	_ =	swait.ge [sflag:s23], $0x1  }
0xa9: {  	[sflag:s23] =	ssyncset.done $0x0  }
0xaa: {  	s25 =	simm.s32 $0x1B8E;
	s24 =	sld [smem:$0x3FFE];
	[sflag:s23] =	ssyncadd.s32 $0xFFFFFFFF  }
0xab: {  	s26 =	simm.s32 $execute0_lowered;
	[smem:$0x3FD2] =	sst s25  }
0xac: {  	s7 =	sshll.u32 s26, $0x1;
	_ =	strace $0x80000046;
	[dreg:$0x1] =	wrdreg $0xFFFFFFFF  }
0xad: {  	s28 =	simm.s32 $_size_execute0_lowered;
	s5 =	sadd.s32 s5, s7;
	[dreg:$0x0] =	wrdreg $0x0  }
0xae: {  	s7 =	sshll.u32 s28, $0x1;
	[dreg:$0x2] =	wrdreg s5  }
0xaf: {  	[dreg:$0x3] =	wrdreg s7  }
0xb0: {  	[dreg:$0x4] =	wrdreg $0xC0  }
0xb1: {  	_ =	task [dreg:s9], $0x5FFFF  }
0xb2: {  	[dreg:$0x1] =	wrdreg $0xFFFFFFFF  }
0xb3: {  	[dreg:$0x0] =	wrdreg $0x60  }
0xb4: {  	[dreg:$0x2] =	wrdreg s24  }
0xb5: {  	[dreg:$0x3] =	wrdreg s15  }
0xb6: {  	[dreg:$0x4] =	wrdreg s17  }
0xb7: {  	[dreg:$0x5] =	wrdreg s16  }
0xb8: {  	[dreg:$0x6] =	wrdreg $0x9  }
0xb9: {  	_ =	task.clear_ibuf [dreg:s9], $0x7FFFF;
	_ =	strace $0x90000046  }
0xba: {  	s29 =	simm.s32 $0x9;
	_ =	strace $0x80000048  }
0xbb: {  	_ =	swait.ge [sflag:s29], $0x1  }
0xbc: {  	[sflag:s29] =	ssyncadd.s32 $0xFFFFFFFF  }
0xbd: {  	_ =	strace $0x90000048  }
0xbe: {  	_ =	sfence  }
0xbf: {  	s30 =	sld [smem:$0x0];
	_ =	sdelay $0x2  }
0xc0: {  	s31 =	sshll.u32 s1, $0xD;
	s1 =	sshrl.u32 s1, $0x2  }
0xc1: {  	s3 =	sand.u32 $0x4000, s31;
	s1 =	sadd.s32 s1, s30  }
0xc2: {  	s0 =	sor.u32 s3, s0;
	s1 =	sshll.u32 s1, $0x11  }
0xc3: {  	s0 =	sor.u32 s1, s0  }
0xc4: {  	s0 =	sadd.s32 $0x8F2B, s0  }
0xc5: {  	[sflag:s0] =	ssyncadd.remote.s32 $0x1  }
0xc6: {  	_ =	sfence.sel $0xFFFF  }
0xc7: {  	[dreg:$0x0] =	wrdreg $0xFFFFFFFF;
	(pc) =	sbr.abs _section_cstart, $3  }
0xc8: {  	[dreg:$0x1] =	wrdreg $0xFFFFFFFF  }
0xc9: {  	_ =	task.clear_ibuf [dreg:s9], $0x2FFFF;
	_ =	strace $0x9FFFFFFF  }
0xca: {  	(tm) =	ssettm $0x7FFFFFFF  }
0xcb: {  	_ =	shalt  }
tec
execute0_lowered:
.L_overlay_start_1:
0x0: {  	(tag) =	ssettag $0x1  }
0x1: {  	s0 =	rddreg [dreg:$0x0]  }
0x2: {  	s1 =	rddreg [dreg:$0x1];
	s2 =	srdreg.scid  }
0x3: {  	s3 =	stileid.u32;
	s4 =	simm.s32 $0x0;
	s20 =	simm.s32 $0x18000  }
0x4: {  	s2 =	sand.u32 $0x1, s2;
	s5 =	sshll.u32 s3, $0x1;
	[smem:$0x7FF] =	sst s4  }
0x5: {  	s6 =	sadd.s32 $0x1000, s0;
	s10 =	sadd.s32 $0x5000, s0;
	s17 =	smul.u32 $0x6, s3  }
0x6: {  	s5 =	sor.u32 s2, s5;
	s7 =	ssub.s32 $0x2, s2;
	_ =	strace $0x80000047  }
0x7: {  	s13 =	smul.u32 $0x3, s5;
	s5 =	sadd.s32 $0x201000, s0;
	s8 =	sshrl.u32 s7, $0x1  }
0x8: {  	s16 =	ssub.s32 s7, s8;
	s7 =	sshll.u32 s2, $0x10;
	s2 =	smul.u32 $0x3, s2  }
0x9: {  	s21 =	sshll.u32 s13, $0xC;
	s9 =	sshrl.u32 s13, $0x1;
	s22 =	sadd.s32 $0x1, s13  }
0xa: {  	s25 =	sadd.s32 $0x2, s13;
	s16 =	smax.u32 s16, $0x1;
	s8 =	sand.u32 $0x7E000, s21  }
0xb: {  	s21 =	sand.u32 $0xF, s9;
	s9 =	sshll.u32 s9, $0x12;
	s11 =	sshll.u32 s22, $0x10  }
0xc: {  	s14 =	sshrl.u32 s22, $0x1;
	s0 =	sshll.u32 s22, $0xC;
	s26 =	sshll.u32 s25, $0xC  }
0xd: {  	s15 =	sshrl.u32 s25, $0x1;
	s29 =	sadd.s32 s2, s17;
	s22 =	simm.s32 $0x18080  }
0xe: {  	s8 =	sadd.s32 s1, s8;
	s9 =	sor.u32 s7, s9;
	s11 =	sand.u32 $0x10000, s11  }
0xf: {  	s24 =	sand.u32 $0xF, s14;
	s0 =	sand.u32 $0xFE000, s0;
	s23 =	sshll.u32 s14, $0x12  }
0x10: {  	s25 =	sand.u32 $0xF, s15;
	s28 =	sshll.u32 s15, $0x12;
	s30 =	sshrl.u32 s29, $0x4  }
0x11: {  	s2 =	sadd.s32 $0x1, s29;
	v1 =	vmov s21;
	s21 =	simm.s32 $0x1;
	[dreg:$0x5] =	wrdreg s8  }
0x12: {  	s12 =	sadd.s32 s1, s0;
	s13 =	sor.u32 s11, s23;
	s0 =	sand.u32 $0xFE000, s26  }
0x13: {  	v0 =	vlaneseq.u32;
	s15 =	sor.u32 s7, s28;
	s17 =	sand.u32 $0xE, s30;
	s31 =	sshrl.u32 s2, $0x4  }
0x14: {  	v0 =	vmul.u32 $0x6, v0;
	s23 =	simm.s32 $0x10000;
	s14 =	sadd.s32 s1, s0;
	s0 =	sadd.s32 $0x2, s29  }
0x15: {  	v2 =	vmov s24;
	v3 =	vmov s25;
	s24 =	simm.s32 $0x16000;
	s25 =	simm.s32 $0x17000;
	s0 =	sshrl.u32 s0, $0x4  }
0x16: {  	v4 =	vor.u32 $0x1, v0;
	s26 =	simm.s32 $0x0;
	s18 =	sand.u32 $0x1E, s31;
	s19 =	sand.u32 $0x1E, s0  }
.LBB2_1:
0x17: {  	s0 =	rddreg [dreg:$0x2]  }
0x18: {  	[tilespmem:s20], [sflag:$0x1] =	stream.linear.gather [hbm4b:s0+s4], $0x80, $0x38;
	[tilespmem:$0x18100] =	vst v63  }
0x19: {  	_ =	swait.ge [sflag:s21], $0x80  }
0x1a: {  	[sflag:s21] =	ssyncset.done $0x0  }
0x1b: {  	[sflag:s21] =	ssyncadd.s32 $0xFFFFFF80  }
0x1c: {  	s30 =	rddreg [dreg:$0x3]  }
0x1d: {  	[tilespmem:s22], [sflag:$0x1] =	stream.linear.gather [hbm4b:s30+s4], $0x80, $0x38;
	[tilespmem:$0x18100] =	vst v63  }
0x1e: {  	_ =	swait.ge [sflag:s21], $0x80  }
0x1f: {  	[sflag:s21] =	ssyncset.done $0x0  }
0x20: {  	s31 =	rddreg [dreg:$0x5];
	[sflag:s21] =	ssyncadd.s32 $0xFFFFFF80  }
0x21: {  	[tilespmem:s4], [sflag:$0x1] =	stream.linear.gather [hbm4b:s31+s4], $0x10000, $0x38;
	[tilespmem:$0x18100] =	vst v63  }
0x22: {  	_ =	swait.ge [sflag:s21], $0x10000  }
0x23: {  	[sflag:s21] =	ssyncset.done $0x0  }
0x24: {  	[sflag:s21] =	ssyncadd.s32 $0xFFFF0000  }
0x25: {  	v5 =	vld.idx.msk [tilespmem:v1+s22+$0x0], $0xffff;
	_ =	sdelay $0x4  }
0x26: {  	v8 =	vmul.u32 v5, v5;
	_ =	sdelay $0x1  }
0x27: {  	s28 =	simm.s32 $0x0;
	v6 =	vld.idx.msk [tilespmem:v1+s20+$0x0], $0xffff;
	v7 =	vadd.s32 $0xFFFFFFFF, v5;
	vm0 =	vgt.s32 v8, $0x8000  }
.LBB2_2:
0x28: {  	s29 =	sshll.u32 s28, $0xC  }
0x29: {  	s0 =	sadd.s32 s7, s29  }
0x2a: {  	s0 =	smul.u32 $0x6, s0;
	_ =	sdelay $0x1  }
0x2b: {  	s0 =	sshrl.u32 s0, $0x3  }
0x2c: {  	s31 =	simm.s32 $0x0;
	v8 =	vadd.s32 s17, v4;
	s0 =	sadd.s32 s5, s0  }
0x2d: {  	v9 =	vadd.s32 s17, v0;
	[tilespmem:s23], [sflag:$0x1] =	stream.linear.gather [hbm4b:s0+s31], $0x6000, $0x38;
	[tilespmem:$0x18100] =	vst v63  }
0x2e: {  	_ =	swait.ge [sflag:s21], $0x6000  }
0x2f: {  	[sflag:s21] =	ssyncset.done $0x0  }
0x30: {  	[sflag:s21] =	ssyncadd.s32 $0xFFFFA000  }
0x31: {  	v8 =	vld.idx.msk [tilespmem:v8+s23+$0x0], $0xffff  }
0x32: {  	v9 =	vld.idx.msk [tilespmem:v9+s23+$0x0], $0xffff;
	_ =	sdelay $0x3  }
0x33: {  	v8 =	vmul.f32 v8, v6  }
0x34: {  	v9 =	vmul.f32 v9, v6  }
0x35: {  	v8 =	vadd.f32 $5.000000000e-01, v8  }
0x36: {  	v9 =	vadd.f32 $5.000000000e-01, v9  }
0x37: {  	v10 =	vtrunc.f32 v8  }
0x38: {  	v11 =	vtrunc.f32 v9;
	v10 =	vcvt.f32.s32 v10  }
0x39: {  	v11 =	vcvt.f32.s32 v11  }
0x3a: {  	v12 =	vadd.s32 $0x1, v10  }
0x3b: {  	v13 =	vcvt.s32.f32 v10;
	v14 =	vmul.u32 $0x9E3779B1, v10;
	v15 =	vadd.s32 $0x1, v11  }
0x3c: {  	v16 =	vmul.u32 v11, v5;
	v18 =	vcvt.s32.f32 v11;
	vm1 =	vlt.s32 v12, v7  }
0x3d: {  	v12 =	vsel vm1, v12, v7;
	v8 =	vsub.f32 v8, v13;
	v13 =	vxor.u32 v11, v14  }
0x3e: {  	vm1 =	vlt.s32 v15, v7;
	v19 =	vadd.s32 v10, v16;
	v17 =	vmul.u32 $0x9E3779B1, v12  }
0x3f: {  	v13 =	vand.u32 $0x7FFF, v13;
	v16 =	vadd.s32 v16, v12;
	v15 =	vsel vm1, v15, v7  }
0x40: {  	v13 =	vsel vm0, v13, v19;
	v20 =	vmul.u32 v5, v15;
	v14 =	vxor.u32 v14, v15  }
0x41: {  	v11 =	vxor.u32 v11, v17;
	v19 =	vand.u32 $0xFFFFFF80, v13;
	v17 =	vxor.u32 v15, v17  }
0x42: {  	v14 =	vand.u32 $0x7FFF, v14;
	v11 =	vand.u32 $0x7FFF, v11;
	v10 =	vadd.s32 v10, v20  }
0x43: {  	v12 =	vadd.s32 v12, v20;
	v11 =	vsel vm0, v11, v16;
	v16 =	vadd.s32 v13, v19  }
0x44: {  	v13 =	vand.u32 $0x7F, v13;
	v10 =	vsel vm0, v14, v10;
	v19 =	vand.u32 $0xFFFFFF80, v11  }
0x45: {  	v21 =	vand.u32 $0xFFFFFF80, v16;
	v14 =	vand.u32 $0xFFFFFF80, v10;
	v19 =	vadd.s32 v11, v19  }
0x46: {  	v11 =	vand.u32 $0x7F, v11;
	v13 =	vor.u32 v13, v21;
	v15 =	vand.u32 $0xFFFFFF80, v19  }
0x47: {  	v13 =	vadd.s32 $0x80, v13;
	v11 =	vor.u32 v11, v15;
	v15 =	vand.u32 $0x7FFF, v17  }
0x48: {  	v17 =	vadd.s32 v10, v14;
	v10 =	vand.u32 $0x7F, v10;
	v12 =	vsel vm0, v15, v12  }
0x49: {  	v11 =	vadd.s32 $0x80, v11;
	v14 =	vand.u32 $0xFFFFFF80, v17;
	v15 =	vand.u32 $0xFFFFFF80, v12  }
0x4a: {  	v9 =	vsub.f32 v9, v18;
	v10 =	vor.u32 v10, v14;
	v15 =	vadd.s32 v12, v15  }
0x4b: {  	v16 =	vld.idx.msk [tilespmem:v16+s4+$0x0], $0xffff;
	v12 =	vand.u32 $0x7F, v12;
	v10 =	vadd.s32 $0x80, v10;
	v14 =	vand.u32 $0xFFFFFF80, v15  }
0x4c: {  	v18 =	vsub.f32 $1.000000000e+00, v9;
	v20 =	vsub.f32 $1.000000000e+00, v8;
	v21 =	vld.idx.msk [tilespmem:v13+s4+$0x0], $0xffff;
	v12 =	vor.u32 v12, v14  }
0x4d: {  	v14 =	vld.idx.msk [tilespmem:v19+s4+$0x0], $0xffff;
	v22 =	vadd.s32 $0x80, v12  }
0x4e: {  	v23 =	vmul.f32 v20, v18;
	v13 =	vld.idx.msk [tilespmem:v11+s4+$0x0], $0xffff  }
0x4f: {  	v11 =	vld.idx.msk [tilespmem:v17+s4+$0x0], $0xffff  }
0x50: {  	v17 =	vmul.f32 v23, v16;
	v12 =	vld.idx.msk [tilespmem:v10+s4+$0x0], $0xffff  }
0x51: {  	s1 =	sadd.s32 $0x60, s17;
	v18 =	vmul.f32 v8, v18;
	v16 =	vmul.f32 v20, v9;
	v15 =	vld.idx.msk [tilespmem:v15+s4+$0x0], $0xffff  }
0x52: {  	s30 =	simm.s32 $0x40;
	s0 =	simm.s32 $0x80;
	v10 =	vadd.s32 s1, v4;
	v19 =	vadd.f32 $0.0e+00, v17;
	v20 =	vmul.f32 v23, v21;
	v17 =	vld.idx.msk [tilespmem:v22+s4+$0x0], $0xffff  }
.LBB2_3:
0x53: {  	p0 =	sne.s32 s0, $0x3FC0;
	v14 =	vmul.f32 v18, v14;
	s2 =	smov.u32 s0;
	s0 =	sadd.s32 $0x40, s0  }
0x54: {  	v8 =	vmul.f32 v8, v9;
	v13 =	vmul.f32 v18, v13;
	v9 =	vadd.f32 $0.0e+00, v20  }
0x55: {  	v11 =	vmul.f32 v16, v11;
	v14 =	vadd.f32 v19, v14  }
0x56: {  	v12 =	vmul.f32 v16, v12;
	v9 =	vadd.f32 v9, v13  }
0x57: {  	v13 =	vmul.f32 v15, v8;
	v11 =	vadd.f32 v14, v11  }
0x58: {  	v8 =	vmul.f32 v17, v8;
	v9 =	vadd.f32 v9, v12  }
0x59: {  	v12 =	vadd.s32 s1, v0;
	v11 =	vadd.f32 v11, v13  }
0x5a: {  	s3 =	sshra.s32 s31, $0x2;
	s31 =	smov.u32 s30;
	s30 =	smov.u32 s2;
	v8 =	vadd.f32 v9, v8  }
0x5b: {  	[tilespmem:s3+$0x16000] =	vst v11  }
0x5c: {  	[tilespmem:s3+$0x17000] =	vst v8  }
0x5d: {  	v8 =	vld.idx.msk [tilespmem:v10+s23+$0x0], $0xffff  }
0x5e: {  	v9 =	vld.idx.msk [tilespmem:v12+s23+$0x0], $0xffff;
	_ =	sdelay $0x4  }
0x5f: {  	v8 =	vmul.f32 v8, v6  }
0x60: {  	v9 =	vmul.f32 v9, v6  }
0x61: {  	v8 =	vadd.f32 $5.000000000e-01, v8  }
0x62: {  	v9 =	vadd.f32 $5.000000000e-01, v9  }
0x63: {  	v10 =	vtrunc.f32 v8  }
0x64: {  	v11 =	vtrunc.f32 v9;
	v10 =	vcvt.f32.s32 v10  }
0x65: {  	v11 =	vcvt.f32.s32 v11  }
0x66: {  	v12 =	vcvt.s32.f32 v10;
	v13 =	vadd.s32 $0x1, v10;
	v14 =	vmul.u32 $0x9E3779B1, v10  }
0x67: {  	v15 =	vadd.s32 $0x1, v11;
	vm1 =	vlt.s32 v13, v7;
	v16 =	vmul.u32 v11, v5  }
0x68: {  	v8 =	vsub.f32 v8, v12;
	v12 =	vsel vm1, v13, v7;
	v13 =	vxor.u32 v11, v14  }
0x69: {  	vm1 =	vlt.s32 v15, v7;
	v13 =	vand.u32 $0x7FFF, v13;
	v17 =	vmul.u32 $0x9E3779B1, v12  }
0x6a: {  	v18 =	vcvt.s32.f32 v11;
	v19 =	vadd.s32 v10, v16;
	v16 =	vadd.s32 v16, v12  }
0x6b: {  	v15 =	vsel vm1, v15, v7;
	v13 =	vsel vm0, v13, v19;
	v11 =	vxor.u32 v11, v17  }
0x6c: {  	v20 =	vmul.u32 v5, v15;
	v19 =	vand.u32 $0xFFFFFF80, v13;
	v11 =	vand.u32 $0x7FFF, v11  }
0x6d: {  	v19 =	vadd.s32 v13, v19;
	v11 =	vsel vm0, v11, v16;
	v16 =	vxor.u32 v15, v17  }
0x6e: {  	v10 =	vadd.s32 v10, v20;
	v17 =	vand.u32 $0xFFFFFF80, v19;
	v21 =	vand.u32 $0xFFFFFF80, v11  }
0x6f: {  	v12 =	vadd.s32 v12, v20;
	v21 =	vadd.s32 v11, v21;
	v11 =	vand.u32 $0x7F, v11  }
0x70: {  	v14 =	vxor.u32 v14, v15;
	v13 =	vand.u32 $0x7F, v13;
	v20 =	vand.u32 $0xFFFFFF80, v21  }
0x71: {  	v14 =	vand.u32 $0x7FFF, v14;
	v13 =	vor.u32 v13, v17;
	v11 =	vor.u32 v11, v20  }
0x72: {  	v10 =	vsel vm0, v14, v10;
	v13 =	vadd.s32 $0x80, v13;
	v11 =	vadd.s32 $0x80, v11  }
0x73: {  	v14 =	vand.u32 $0xFFFFFF80, v10;
	v15 =	vand.u32 $0x7FFF, v16  }
0x74: {  	v16 =	vadd.s32 v10, v14;
	v10 =	vand.u32 $0x7F, v10;
	v12 =	vsel vm0, v15, v12  }
0x75: {  	v9 =	vsub.f32 v9, v18;
	v14 =	vand.u32 $0xFFFFFF80, v16;
	v15 =	vand.u32 $0xFFFFFF80, v12  }
0x76: {  	v10 =	vor.u32 v10, v14;
	v15 =	vadd.s32 v12, v15;
	v12 =	vand.u32 $0x7F, v12;
	v17 =	vld.idx.msk [tilespmem:v19+s4+$0x0], $0xffff  }
0x77: {  	v18 =	vsub.f32 $1.000000000e+00, v9;
	v10 =	vadd.s32 $0x80, v10;
	v14 =	vand.u32 $0xFFFFFF80, v15  }
0x78: {  	v12 =	vor.u32 v12, v14;
	v19 =	vsub.f32 $1.000000000e+00, v8;
	v20 =	vld.idx.msk [tilespmem:v13+s4+$0x0], $0xffff  }
0x79: {  	v14 =	vld.idx.msk [tilespmem:v21+s4+$0x0], $0xffff;
	v21 =	vadd.s32 $0x80, v12  }
.Ltmp0:
0x7a: {  	s1 =	sadd.s32 $0x60, s1;
	v22 =	vmul.f32 v19, v18;
	v13 =	vld.idx.msk [tilespmem:v11+s4+$0x0], $0xffff;
	(pc) =	sbr.rel @p0 .LBB2_3-.Ltmp0, $4  }
0x7b: {  	v11 =	vld.idx.msk [tilespmem:v16+s4+$0x0], $0xffff  }
0x7c: {  	v18 =	vmul.f32 v8, v18;
	v17 =	vmul.f32 v22, v17;
	v12 =	vld.idx.msk [tilespmem:v10+s4+$0x0], $0xffff  }
0x7d: {  	v16 =	vmul.f32 v19, v9;
	v15 =	vld.idx.msk [tilespmem:v15+s4+$0x0], $0xffff  }
0x7e: {  	v10 =	vadd.s32 s1, v4;
	v19 =	vadd.f32 $0.0e+00, v17;
	v20 =	vmul.f32 v22, v20;
	v17 =	vld.idx.msk [tilespmem:v21+s4+$0x0], $0xffff  }
0x7f: {  	v14 =	vmul.f32 v18, v14  }
0x80: {  	v13 =	vmul.f32 v18, v13;
	v20 =	vadd.f32 $0.0e+00, v20  }
0x81: {  	v8 =	vmul.f32 v8, v9;
	v11 =	vmul.f32 v16, v11;
	v36 =	vadd.f32 v19, v14  }
0x82: {  	v12 =	vmul.f32 v16, v12;
	v13 =	vadd.f32 v20, v13  }
0x83: {  	v37 =	vmul.f32 v15, v8;
	v9 =	vadd.f32 v36, v11  }
0x84: {  	v8 =	vmul.f32 v17, v8;
	v12 =	vadd.f32 v13, v12  }
0x85: {  	v38 =	vadd.s32 s1, v0;
	v9 =	vadd.f32 v9, v37  }
0x86: {  	s0 =	sshra.s32 s31, $0x2;
	v8 =	vadd.f32 v12, v8  }
0x87: {  	[tilespmem:s0+$0x16000] =	vst v9  }
0x88: {  	[tilespmem:s0+$0x17000] =	vst v8  }
0x89: {  	v8 =	vld.idx.msk [tilespmem:v10+s23+$0x0], $0xffff  }
0x8a: {  	v9 =	vld.idx.msk [tilespmem:v38+s23+$0x0], $0xffff;
	_ =	sdelay $0x3  }
0x8b: {  	v8 =	vmul.f32 v8, v6  }
0x8c: {  	v9 =	vmul.f32 v9, v6  }
0x8d: {  	v8 =	vadd.f32 $5.000000000e-01, v8  }
0x8e: {  	v9 =	vadd.f32 $5.000000000e-01, v9  }
0x8f: {  	v39 =	vtrunc.f32 v8  }
0x90: {  	v40 =	vtrunc.f32 v9;
	v10 =	vcvt.f32.s32 v39  }
0x91: {  	v11 =	vcvt.f32.s32 v40  }
0x92: {  	v41 =	vadd.s32 $0x1, v10  }
0x93: {  	v42 =	vcvt.s32.f32 v10;
	v43 =	vmul.u32 $0x9E3779B1, v10;
	v44 =	vadd.s32 $0x1, v11  }
0x94: {  	v45 =	vmul.u32 v11, v5;
	v48 =	vcvt.s32.f32 v11;
	vm1 =	vlt.s32 v41, v7  }
0x95: {  	v12 =	vsel vm1, v41, v7;
	v8 =	vsub.f32 v8, v42;
	v46 =	vxor.u32 v11, v43  }
0x96: {  	vm1 =	vlt.s32 v44, v7;
	v49 =	vadd.s32 v10, v45;
	v47 =	vmul.u32 $0x9E3779B1, v12  }
0x97: {  	v13 =	vand.u32 $0x7FFF, v46;
	v16 =	vadd.s32 v45, v12;
	v15 =	vsel vm1, v44, v7  }
0x98: {  	v13 =	vsel vm0, v13, v49;
	v50 =	vmul.u32 v5, v15;
	v14 =	vxor.u32 v43, v15  }
0x99: {  	v11 =	vxor.u32 v11, v47;
	v19 =	vand.u32 $0xFFFFFF80, v13;
	v17 =	vxor.u32 v15, v47  }
0x9a: {  	v14 =	vand.u32 $0x7FFF, v14;
	v11 =	vand.u32 $0x7FFF, v11;
	v51 =	vadd.s32 v13, v19  }
0x9b: {  	v10 =	vadd.s32 v10, v50;
	v12 =	vadd.s32 v12, v50;
	v13 =	vand.u32 $0x7F, v13  }
0x9c: {  	v54 =	vand.u32 $0x7FFF, v17;
	v11 =	vsel vm0, v11, v16;
	v21 =	vand.u32 $0xFFFFFF80, v51  }
0x9d: {  	v10 =	vsel vm0, v14, v10;
	v12 =	vsel vm0, v54, v12;
	v52 =	vand.u32 $0xFFFFFF80, v11  }
0x9e: {  	v13 =	vor.u32 v13, v21;
	v14 =	vand.u32 $0xFFFFFF80, v10;
	v19 =	vadd.s32 v11, v52  }
0x9f: {  	v11 =	vand.u32 $0x7F, v11;
	v13 =	vadd.s32 $0x80, v13;
	v53 =	vand.u32 $0xFFFFFF80, v19  }
0xa0: {  	v56 =	vand.u32 $0xFFFFFF80, v12;
	v14 =	vadd.s32 v10, v14;
	v11 =	vor.u32 v11, v53  }
0xa1: {  	v10 =	vand.u32 $0x7F, v10;
	v55 =	vand.u32 $0xFFFFFF80, v14;
	v11 =	vadd.s32 $0x80, v11  }
0xa2: {  	v9 =	vsub.f32 v9, v48;
	v57 =	vadd.s32 v12, v56;
	v10 =	vor.u32 v10, v55  }
0xa3: {  	v12 =	vand.u32 $0x7F, v12;
	v17 =	vand.u32 $0xFFFFFF80, v57;
	v16 =	vld.idx.msk [tilespmem:v51+s4+$0x0], $0xffff;
	v10 =	vadd.s32 $0x80, v10  }
0xa4: {  	v18 =	vsub.f32 $1.000000000e+00, v9;
	v58 =	vsub.f32 $1.000000000e+00, v8;
	v12 =	vor.u32 v12, v17;
	v13 =	vld.idx.msk [tilespmem:v13+s4+$0x0], $0xffff  }
0xa5: {  	v12 =	vadd.s32 $0x80, v12;
	v59 =	vld.idx.msk [tilespmem:v19+s4+$0x0], $0xffff  }
0xa6: {  	v60 =	vmul.f32 v58, v18;
	v11 =	vld.idx.msk [tilespmem:v11+s4+$0x0], $0xffff  }
0xa7: {  	v14 =	vld.idx.msk [tilespmem:v14+s4+$0x0], $0xffff  }
0xa8: {  	v18 =	vmul.f32 v8, v18;
	v16 =	vmul.f32 v60, v16;
	v10 =	vld.idx.msk [tilespmem:v10+s4+$0x0], $0xffff  }
0xa9: {  	v15 =	vld.idx.msk [tilespmem:v57+s4+$0x0], $0xffff;
	v13 =	vmul.f32 v60, v13  }
0xaa: {  	v61 =	vmul.f32 v58, v9;
	v12 =	vld.idx.msk [tilespmem:v12+s4+$0x0], $0xffff;
	v16 =	vadd.f32 $0.0e+00, v16;
	v17 =	vmul.f32 v18, v59  }
0xab: {  	v13 =	vadd.f32 $0.0e+00, v13;
	v11 =	vmul.f32 v18, v11  }
0xac: {  	v8 =	vmul.f32 v8, v9;
	v14 =	vmul.f32 v61, v14;
	v62 =	vadd.f32 v16, v17  }
0xad: {  	v10 =	vmul.f32 v61, v10;
	v11 =	vadd.f32 v13, v11  }
0xae: {  	v63 =	vmul.f32 v15, v8;
	v9 =	vadd.f32 v62, v14  }
0xaf: {  	v8 =	vmul.f32 v12, v8;
	v10 =	vadd.f32 v11, v10  }
0xb0: {  	v9 =	vadd.f32 v9, v63  }
0xb1: {  	s8 =	sshra.s32 s30, $0x2;
	s29 =	sadd.s32 s9, s29;
	v8 =	vadd.f32 v10, v8  }
0xb2: {  	s1 =	sshrl.u32 s29, $0x3;
	[tilespmem:s8+$0x16000] =	vst v9  }
0xb3: {  	s30 =	sadd.s32 s6, s1;
	[tilespmem:s8+$0x17000] =	vst v8  }
0xb4: {  	[hbm4b:s30+s4] =	stream.linear.scatter [tilespmem:s24], [sflag:$0x1], $0x1000, $0x38;
	[tilespmem:$0x18100] =	vst v63  }
0xb5: {  	s28 =	sadd.s32 $0x1, s28;
	_ =	swait.ge [sflag:s21], $0x1000  }
0xb6: {  	p0 =	sne.s32 s28, $0x10;
	[sflag:s21] =	ssyncset.done $0x0  }
.Ltmp1:
0xb7: {  	s31 =	sadd.s32 s1, s10;
	[sflag:s21] =	ssyncadd.s32 $0xFFFFF000;
	(pc) =	sbr.rel @p0 .LBB2_2-.Ltmp1, $4  }
0xb8: {  	[hbm4b:s31+s4] =	stream.linear.scatter [tilespmem:s25], [sflag:$0x1], $0x1000, $0x38;
	[tilespmem:$0x18100] =	vst v63  }
0xb9: {  	_ =	swait.ge [sflag:s21], $0x1000  }
0xba: {  	[sflag:s21] =	ssyncset.done $0x0  }
0xbb: {  	[sflag:s21] =	ssyncadd.s32 $0xFFFFF000  }
0xbc: {  	s28 =	simm.s32 $0x0  }
0xbd: {  	[tilespmem:s28], [sflag:$0x1] =	stream.linear.gather [hbm4b:s12+s28], $0x10000, $0x38;
	[tilespmem:$0x18100] =	vst v63  }
0xbe: {  	_ =	swait.ge [sflag:s21], $0x10000  }
0xbf: {  	[sflag:s21] =	ssyncset.done $0x0  }
0xc0: {  	[sflag:s21] =	ssyncadd.s32 $0xFFFF0000  }
0xc1: {  	v5 =	vld.idx.msk [tilespmem:v2+s22+$0x0], $0xffff;
	_ =	sdelay $0x4  }
0xc2: {  	v8 =	vmul.u32 v5, v5;
	_ =	sdelay $0x1  }
0xc3: {  	s29 =	simm.s32 $0x0;
	v6 =	vld.idx.msk [tilespmem:v2+s20+$0x0], $0xffff;
	v7 =	vadd.s32 $0xFFFFFFFF, v5;
	vm0 =	vgt.s32 v8, $0x8000  }
.LBB2_6:
0xc4: {  	s30 =	sshll.u32 s29, $0xC  }
0xc5: {  	s0 =	sadd.s32 s11, s30  }
0xc6: {  	s0 =	smul.u32 $0x6, s0;
	_ =	sdelay $0x1  }
0xc7: {  	s0 =	sshrl.u32 s0, $0x3  }
0xc8: {  	v8 =	vadd.s32 s18, v4;
	s0 =	sadd.s32 s5, s0  }
0xc9: {  	v9 =	vadd.s32 s18, v0;
	[tilespmem:s23], [sflag:$0x1] =	stream.linear.gather [hbm4b:s0+s28], $0x6000, $0x38;
	[tilespmem:$0x18100] =	vst v63  }
0xca: {  	_ =	swait.ge [sflag:s21], $0x6000  }
0xcb: {  	[sflag:s21] =	ssyncset.done $0x0  }
0xcc: {  	[sflag:s21] =	ssyncadd.s32 $0xFFFFA000  }
0xcd: {  	v8 =	vld.idx.msk [tilespmem:v8+s23+$0x0], $0xffff  }
0xce: {  	v9 =	vld.idx.msk [tilespmem:v9+s23+$0x0], $0xffff;
	_ =	sdelay $0x3  }
0xcf: {  	v8 =	vmul.f32 v8, v6  }
0xd0: {  	v9 =	vmul.f32 v9, v6  }
0xd1: {  	v8 =	vadd.f32 $5.000000000e-01, v8  }
0xd2: {  	v9 =	vadd.f32 $5.000000000e-01, v9  }
0xd3: {  	v10 =	vtrunc.f32 v8  }
0xd4: {  	v11 =	vtrunc.f32 v9;
	v10 =	vcvt.f32.s32 v10  }
0xd5: {  	v11 =	vcvt.f32.s32 v11  }
0xd6: {  	v12 =	vadd.s32 $0x1, v10  }
0xd7: {  	v13 =	vcvt.s32.f32 v10;
	v14 =	vmul.u32 $0x9E3779B1, v10;
	v15 =	vadd.s32 $0x1, v11  }
0xd8: {  	v16 =	vmul.u32 v11, v5;
	v18 =	vcvt.s32.f32 v11;
	vm1 =	vlt.s32 v12, v7  }
0xd9: {  	v12 =	vsel vm1, v12, v7;
	v8 =	vsub.f32 v8, v13;
	v13 =	vxor.u32 v11, v14  }
0xda: {  	vm1 =	vlt.s32 v15, v7;
	v19 =	vadd.s32 v10, v16;
	v17 =	vmul.u32 $0x9E3779B1, v12  }
0xdb: {  	v13 =	vand.u32 $0x7FFF, v13;
	v16 =	vadd.s32 v16, v12;
	v15 =	vsel vm1, v15, v7  }
0xdc: {  	v13 =	vsel vm0, v13, v19;
	v20 =	vmul.u32 v5, v15;
	v14 =	vxor.u32 v14, v15  }
0xdd: {  	v11 =	vxor.u32 v11, v17;
	v19 =	vand.u32 $0xFFFFFF80, v13;
	v17 =	vxor.u32 v15, v17  }
0xde: {  	v14 =	vand.u32 $0x7FFF, v14;
	v11 =	vand.u32 $0x7FFF, v11;
	v10 =	vadd.s32 v10, v20  }
0xdf: {  	v12 =	vadd.s32 v12, v20;
	v11 =	vsel vm0, v11, v16;
	v16 =	vadd.s32 v13, v19  }
0xe0: {  	v13 =	vand.u32 $0x7F, v13;
	v10 =	vsel vm0, v14, v10;
	v19 =	vand.u32 $0xFFFFFF80, v11  }
0xe1: {  	v21 =	vand.u32 $0xFFFFFF80, v16;
	v14 =	vand.u32 $0xFFFFFF80, v10;
	v19 =	vadd.s32 v11, v19  }
0xe2: {  	v11 =	vand.u32 $0x7F, v11;
	v13 =	vor.u32 v13, v21;
	v15 =	vand.u32 $0xFFFFFF80, v19  }
0xe3: {  	v13 =	vadd.s32 $0x80, v13;
	v11 =	vor.u32 v11, v15;
	v15 =	vand.u32 $0x7FFF, v17  }
0xe4: {  	v17 =	vadd.s32 v10, v14;
	v10 =	vand.u32 $0x7F, v10;
	v12 =	vsel vm0, v15, v12  }
0xe5: {  	v11 =	vadd.s32 $0x80, v11;
	v14 =	vand.u32 $0xFFFFFF80, v17;
	v15 =	vand.u32 $0xFFFFFF80, v12  }
0xe6: {  	v9 =	vsub.f32 v9, v18;
	v10 =	vor.u32 v10, v14;
	v15 =	vadd.s32 v12, v15  }
0xe7: {  	v16 =	vld.idx.msk [tilespmem:v16+s4+$0x0], $0xffff;
	v12 =	vand.u32 $0x7F, v12;
	v10 =	vadd.s32 $0x80, v10;
	v14 =	vand.u32 $0xFFFFFF80, v15  }
0xe8: {  	v18 =	vsub.f32 $1.000000000e+00, v9;
	v20 =	vsub.f32 $1.000000000e+00, v8;
	v21 =	vld.idx.msk [tilespmem:v13+s4+$0x0], $0xffff;
	v12 =	vor.u32 v12, v14  }
0xe9: {  	v14 =	vld.idx.msk [tilespmem:v19+s4+$0x0], $0xffff;
	v22 =	vadd.s32 $0x80, v12  }
0xea: {  	v23 =	vmul.f32 v20, v18;
	v13 =	vld.idx.msk [tilespmem:v11+s4+$0x0], $0xffff  }
0xeb: {  	v11 =	vld.idx.msk [tilespmem:v17+s4+$0x0], $0xffff  }
0xec: {  	v17 =	vmul.f32 v23, v16;
	v12 =	vld.idx.msk [tilespmem:v10+s4+$0x0], $0xffff  }
0xed: {  	s1 =	sadd.s32 $0x60, s18;
	v18 =	vmul.f32 v8, v18;
	v16 =	vmul.f32 v20, v9;
	v15 =	vld.idx.msk [tilespmem:v15+s4+$0x0], $0xffff  }
0xee: {  	s31 =	simm.s32 $0x40;
	s2 =	simm.s32 $0x80;
	s0 =	simm.s32 $0x0;
	v10 =	vadd.s32 s1, v4;
	v19 =	vadd.f32 $0.0e+00, v17;
	v20 =	vmul.f32 v23, v21;
	v17 =	vld.idx.msk [tilespmem:v22+s4+$0x0], $0xffff  }
.LBB2_7:
0xef: {  	p0 =	sne.s32 s2, $0x3FC0;
	v14 =	vmul.f32 v18, v14;
	s3 =	smov.u32 s2;
	s2 =	sadd.s32 $0x40, s2  }
0xf0: {  	v8 =	vmul.f32 v8, v9;
	v13 =	vmul.f32 v18, v13;
	v9 =	vadd.f32 $0.0e+00, v20  }
0xf1: {  	v11 =	vmul.f32 v16, v11;
	v14 =	vadd.f32 v19, v14  }
0xf2: {  	v12 =	vmul.f32 v16, v12;
	v9 =	vadd.f32 v9, v13  }
0xf3: {  	v13 =	vmul.f32 v15, v8;
	v11 =	vadd.f32 v14, v11  }
0xf4: {  	v8 =	vmul.f32 v17, v8;
	v9 =	vadd.f32 v9, v12  }
0xf5: {  	v12 =	vadd.s32 s1, v0;
	v11 =	vadd.f32 v11, v13  }
0xf6: {  	s8 =	sshra.s32 s0, $0x2;
	s0 =	smov.u32 s31;
	s31 =	smov.u32 s3;
	v8 =	vadd.f32 v9, v8  }
0xf7: {  	[tilespmem:s8+$0x16000] =	vst v11  }
0xf8: {  	[tilespmem:s8+$0x17000] =	vst v8  }
0xf9: {  	v8 =	vld.idx.msk [tilespmem:v10+s23+$0x0], $0xffff  }
0xfa: {  	v9 =	vld.idx.msk [tilespmem:v12+s23+$0x0], $0xffff;
	_ =	sdelay $0x4  }
0xfb: {  	v8 =	vmul.f32 v8, v6  }
0xfc: {  	v9 =	vmul.f32 v9, v6  }
0xfd: {  	v8 =	vadd.f32 $5.000000000e-01, v8  }
0xfe: {  	v9 =	vadd.f32 $5.000000000e-01, v9  }
0xff: {  	v10 =	vtrunc.f32 v8  }
0x100: {  	v11 =	vtrunc.f32 v9;
	v10 =	vcvt.f32.s32 v10  }
0x101: {  	v11 =	vcvt.f32.s32 v11  }
0x102: {  	v12 =	vcvt.s32.f32 v10;
	v13 =	vadd.s32 $0x1, v10;
	v14 =	vmul.u32 $0x9E3779B1, v10  }
0x103: {  	v15 =	vadd.s32 $0x1, v11;
	vm1 =	vlt.s32 v13, v7;
	v16 =	vmul.u32 v11, v5  }
0x104: {  	v8 =	vsub.f32 v8, v12;
	v12 =	vsel vm1, v13, v7;
	v13 =	vxor.u32 v11, v14  }
0x105: {  	vm1 =	vlt.s32 v15, v7;
	v13 =	vand.u32 $0x7FFF, v13;
	v17 =	vmul.u32 $0x9E3779B1, v12  }
0x106: {  	v18 =	vcvt.s32.f32 v11;
	v19 =	vadd.s32 v10, v16;
	v16 =	vadd.s32 v16, v12  }
0x107: {  	v15 =	vsel vm1, v15, v7;
	v13 =	vsel vm0, v13, v19;
	v11 =	vxor.u32 v11, v17  }
0x108: {  	v20 =	vmul.u32 v5, v15;
	v19 =	vand.u32 $0xFFFFFF80, v13;
	v11 =	vand.u32 $0x7FFF, v11  }
0x109: {  	v19 =	vadd.s32 v13, v19;
	v11 =	vsel vm0, v11, v16;
	v16 =	vxor.u32 v15, v17  }
0x10a: {  	v10 =	vadd.s32 v10, v20;
	v17 =	vand.u32 $0xFFFFFF80, v19;
	v21 =	vand.u32 $0xFFFFFF80, v11  }
0x10b: {  	v12 =	vadd.s32 v12, v20;
	v21 =	vadd.s32 v11, v21;
	v11 =	vand.u32 $0x7F, v11  }
0x10c: {  	v14 =	vxor.u32 v14, v15;
	v13 =	vand.u32 $0x7F, v13;
	v20 =	vand.u32 $0xFFFFFF80, v21  }
0x10d: {  	v14 =	vand.u32 $0x7FFF, v14;
	v13 =	vor.u32 v13, v17;
	v11 =	vor.u32 v11, v20  }
0x10e: {  	v10 =	vsel vm0, v14, v10;
	v13 =	vadd.s32 $0x80, v13;
	v11 =	vadd.s32 $0x80, v11  }
0x10f: {  	v14 =	vand.u32 $0xFFFFFF80, v10;
	v15 =	vand.u32 $0x7FFF, v16  }
0x110: {  	v16 =	vadd.s32 v10, v14;
	v10 =	vand.u32 $0x7F, v10;
	v12 =	vsel vm0, v15, v12  }
0x111: {  	v9 =	vsub.f32 v9, v18;
	v14 =	vand.u32 $0xFFFFFF80, v16;
	v15 =	vand.u32 $0xFFFFFF80, v12  }
0x112: {  	v10 =	vor.u32 v10, v14;
	v15 =	vadd.s32 v12, v15;
	v12 =	vand.u32 $0x7F, v12;
	v17 =	vld.idx.msk [tilespmem:v19+s4+$0x0], $0xffff  }
0x113: {  	v18 =	vsub.f32 $1.000000000e+00, v9;
	v10 =	vadd.s32 $0x80, v10;
	v14 =	vand.u32 $0xFFFFFF80, v15  }
0x114: {  	v12 =	vor.u32 v12, v14;
	v19 =	vsub.f32 $1.000000000e+00, v8;
	v20 =	vld.idx.msk [tilespmem:v13+s4+$0x0], $0xffff  }
0x115: {  	v14 =	vld.idx.msk [tilespmem:v21+s4+$0x0], $0xffff;
	v21 =	vadd.s32 $0x80, v12  }
.Ltmp2:
0x116: {  	s1 =	sadd.s32 $0x60, s1;
	v22 =	vmul.f32 v19, v18;
	v13 =	vld.idx.msk [tilespmem:v11+s4+$0x0], $0xffff;
	(pc) =	sbr.rel @p0 .LBB2_7-.Ltmp2, $4  }
0x117: {  	v11 =	vld.idx.msk [tilespmem:v16+s4+$0x0], $0xffff  }
0x118: {  	v18 =	vmul.f32 v8, v18;
	v17 =	vmul.f32 v22, v17;
	v12 =	vld.idx.msk [tilespmem:v10+s4+$0x0], $0xffff  }
0x119: {  	v16 =	vmul.f32 v19, v9;
	v15 =	vld.idx.msk [tilespmem:v15+s4+$0x0], $0xffff  }
0x11a: {  	v10 =	vadd.s32 s1, v4;
	v19 =	vadd.f32 $0.0e+00, v17;
	v20 =	vmul.f32 v22, v20;
	v17 =	vld.idx.msk [tilespmem:v21+s4+$0x0], $0xffff  }
0x11b: {  	v14 =	vmul.f32 v18, v14  }
0x11c: {  	v13 =	vmul.f32 v18, v13;
	v20 =	vadd.f32 $0.0e+00, v20  }
0x11d: {  	v8 =	vmul.f32 v8, v9;
	v11 =	vmul.f32 v16, v11;
	v36 =	vadd.f32 v19, v14  }
0x11e: {  	v12 =	vmul.f32 v16, v12;
	v13 =	vadd.f32 v20, v13  }
0x11f: {  	v37 =	vmul.f32 v15, v8;
	v9 =	vadd.f32 v36, v11  }
0x120: {  	v8 =	vmul.f32 v17, v8;
	v12 =	vadd.f32 v13, v12  }
0x121: {  	v38 =	vadd.s32 s1, v0;
	v9 =	vadd.f32 v9, v37  }
0x122: {  	s0 =	sshra.s32 s0, $0x2;
	v8 =	vadd.f32 v12, v8  }
0x123: {  	[tilespmem:s0+$0x16000] =	vst v9  }
0x124: {  	[tilespmem:s0+$0x17000] =	vst v8  }
0x125: {  	v8 =	vld.idx.msk [tilespmem:v10+s23+$0x0], $0xffff  }
0x126: {  	v9 =	vld.idx.msk [tilespmem:v38+s23+$0x0], $0xffff;
	_ =	sdelay $0x3  }
0x127: {  	v8 =	vmul.f32 v8, v6  }
0x128: {  	v9 =	vmul.f32 v9, v6  }
0x129: {  	v8 =	vadd.f32 $5.000000000e-01, v8  }
0x12a: {  	v9 =	vadd.f32 $5.000000000e-01, v9  }
0x12b: {  	v39 =	vtrunc.f32 v8  }
0x12c: {  	v40 =	vtrunc.f32 v9;
	v10 =	vcvt.f32.s32 v39  }
0x12d: {  	v11 =	vcvt.f32.s32 v40  }
0x12e: {  	v41 =	vadd.s32 $0x1, v10  }
0x12f: {  	v42 =	vcvt.s32.f32 v10;
	v43 =	vmul.u32 $0x9E3779B1, v10;
	v44 =	vadd.s32 $0x1, v11  }
0x130: {  	v45 =	vmul.u32 v11, v5;
	v48 =	vcvt.s32.f32 v11;
	vm1 =	vlt.s32 v41, v7  }
0x131: {  	v12 =	vsel vm1, v41, v7;
	v8 =	vsub.f32 v8, v42;
	v46 =	vxor.u32 v11, v43  }
0x132: {  	vm1 =	vlt.s32 v44, v7;
	v49 =	vadd.s32 v10, v45;
	v47 =	vmul.u32 $0x9E3779B1, v12  }
0x133: {  	v13 =	vand.u32 $0x7FFF, v46;
	v16 =	vadd.s32 v45, v12;
	v15 =	vsel vm1, v44, v7  }
0x134: {  	v13 =	vsel vm0, v13, v49;
	v50 =	vmul.u32 v5, v15;
	v14 =	vxor.u32 v43, v15  }
0x135: {  	v11 =	vxor.u32 v11, v47;
	v19 =	vand.u32 $0xFFFFFF80, v13;
	v17 =	vxor.u32 v15, v47  }
0x136: {  	v14 =	vand.u32 $0x7FFF, v14;
	v11 =	vand.u32 $0x7FFF, v11;
	v51 =	vadd.s32 v13, v19  }
0x137: {  	v10 =	vadd.s32 v10, v50;
	v12 =	vadd.s32 v12, v50;
	v13 =	vand.u32 $0x7F, v13  }
0x138: {  	v54 =	vand.u32 $0x7FFF, v17;
	v11 =	vsel vm0, v11, v16;
	v21 =	vand.u32 $0xFFFFFF80, v51  }
0x139: {  	v10 =	vsel vm0, v14, v10;
	v12 =	vsel vm0, v54, v12;
	v52 =	vand.u32 $0xFFFFFF80, v11  }
0x13a: {  	v13 =	vor.u32 v13, v21;
	v14 =	vand.u32 $0xFFFFFF80, v10;
	v19 =	vadd.s32 v11, v52  }
0x13b: {  	v11 =	vand.u32 $0x7F, v11;
	v13 =	vadd.s32 $0x80, v13;
	v53 =	vand.u32 $0xFFFFFF80, v19  }
0x13c: {  	v56 =	vand.u32 $0xFFFFFF80, v12;
	v14 =	vadd.s32 v10, v14;
	v11 =	vor.u32 v11, v53  }
0x13d: {  	v10 =	vand.u32 $0x7F, v10;
	v55 =	vand.u32 $0xFFFFFF80, v14;
	v11 =	vadd.s32 $0x80, v11  }
0x13e: {  	v9 =	vsub.f32 v9, v48;
	v57 =	vadd.s32 v12, v56;
	v10 =	vor.u32 v10, v55  }
0x13f: {  	v12 =	vand.u32 $0x7F, v12;
	v17 =	vand.u32 $0xFFFFFF80, v57;
	v16 =	vld.idx.msk [tilespmem:v51+s4+$0x0], $0xffff;
	v10 =	vadd.s32 $0x80, v10  }
0x140: {  	v18 =	vsub.f32 $1.000000000e+00, v9;
	v58 =	vsub.f32 $1.000000000e+00, v8;
	v12 =	vor.u32 v12, v17;
	v13 =	vld.idx.msk [tilespmem:v13+s4+$0x0], $0xffff  }
0x141: {  	v12 =	vadd.s32 $0x80, v12;
	v59 =	vld.idx.msk [tilespmem:v19+s4+$0x0], $0xffff  }
0x142: {  	v60 =	vmul.f32 v58, v18;
	v11 =	vld.idx.msk [tilespmem:v11+s4+$0x0], $0xffff  }
0x143: {  	v14 =	vld.idx.msk [tilespmem:v14+s4+$0x0], $0xffff  }
0x144: {  	v18 =	vmul.f32 v8, v18;
	v16 =	vmul.f32 v60, v16;
	v10 =	vld.idx.msk [tilespmem:v10+s4+$0x0], $0xffff  }
0x145: {  	v15 =	vld.idx.msk [tilespmem:v57+s4+$0x0], $0xffff;
	v13 =	vmul.f32 v60, v13  }
0x146: {  	v61 =	vmul.f32 v58, v9;
	v12 =	vld.idx.msk [tilespmem:v12+s4+$0x0], $0xffff;
	v16 =	vadd.f32 $0.0e+00, v16;
	v17 =	vmul.f32 v18, v59  }
0x147: {  	v13 =	vadd.f32 $0.0e+00, v13;
	v11 =	vmul.f32 v18, v11  }
0x148: {  	v8 =	vmul.f32 v8, v9;
	v14 =	vmul.f32 v61, v14;
	v62 =	vadd.f32 v16, v17  }
0x149: {  	v10 =	vmul.f32 v61, v10;
	v11 =	vadd.f32 v13, v11  }
0x14a: {  	v63 =	vmul.f32 v15, v8;
	v9 =	vadd.f32 v62, v14  }
0x14b: {  	v8 =	vmul.f32 v12, v8;
	v10 =	vadd.f32 v11, v10  }
0x14c: {  	v9 =	vadd.f32 v9, v63  }
0x14d: {  	s3 =	sshra.s32 s31, $0x2;
	s8 =	sadd.s32 s13, s30;
	v8 =	vadd.f32 v10, v8  }
0x14e: {  	s1 =	sshrl.u32 s8, $0x3;
	[tilespmem:s3+$0x16000] =	vst v9  }
0x14f: {  	s30 =	sadd.s32 s6, s1;
	[tilespmem:s3+$0x17000] =	vst v8  }
0x150: {  	[hbm4b:s30+s4] =	stream.linear.scatter [tilespmem:s24], [sflag:$0x1], $0x1000, $0x38;
	[tilespmem:$0x18100] =	vst v63  }
0x151: {  	s29 =	sadd.s32 $0x1, s29;
	_ =	swait.ge [sflag:s21], $0x1000  }
0x152: {  	p0 =	sne.s32 s29, $0x10;
	[sflag:s21] =	ssyncset.done $0x0  }
.Ltmp3:
0x153: {  	s31 =	sadd.s32 s1, s10;
	[sflag:s21] =	ssyncadd.s32 $0xFFFFF000;
	(pc) =	sbr.rel @p0 .LBB2_6-.Ltmp3, $4  }
0x154: {  	[hbm4b:s31+s4] =	stream.linear.scatter [tilespmem:s25], [sflag:$0x1], $0x1000, $0x38;
	[tilespmem:$0x18100] =	vst v63  }
0x155: {  	_ =	swait.ge [sflag:s21], $0x1000  }
0x156: {  	[sflag:s21] =	ssyncset.done $0x0  }
0x157: {  	[sflag:s21] =	ssyncadd.s32 $0xFFFFF000  }
0x158: {  	s28 =	simm.s32 $0x0  }
0x159: {  	[tilespmem:s28], [sflag:$0x1] =	stream.linear.gather [hbm4b:s14+s28], $0x10000, $0x38;
	[tilespmem:$0x18100] =	vst v63  }
0x15a: {  	_ =	swait.ge [sflag:s21], $0x10000  }
0x15b: {  	[sflag:s21] =	ssyncset.done $0x0  }
0x15c: {  	[sflag:s21] =	ssyncadd.s32 $0xFFFF0000  }
0x15d: {  	v5 =	vld.idx.msk [tilespmem:v3+s22+$0x0], $0xffff;
	_ =	sdelay $0x4  }
0x15e: {  	v8 =	vmul.u32 v5, v5;
	_ =	sdelay $0x1  }
0x15f: {  	s29 =	simm.s32 $0x0;
	v6 =	vld.idx.msk [tilespmem:v3+s20+$0x0], $0xffff;
	v7 =	vadd.s32 $0xFFFFFFFF, v5;
	vm0 =	vgt.s32 v8, $0x8000  }
.LBB2_10:
0x160: {  	s30 =	sshll.u32 s29, $0xC  }
0x161: {  	s0 =	sadd.s32 s7, s30  }
0x162: {  	s0 =	smul.u32 $0x6, s0;
	_ =	sdelay $0x1  }
0x163: {  	s0 =	sshrl.u32 s0, $0x3  }
0x164: {  	v8 =	vadd.s32 s19, v4;
	s0 =	sadd.s32 s5, s0  }
0x165: {  	v9 =	vadd.s32 s19, v0;
	[tilespmem:s23], [sflag:$0x1] =	stream.linear.gather [hbm4b:s0+s28], $0x6000, $0x38;
	[tilespmem:$0x18100] =	vst v63  }
0x166: {  	_ =	swait.ge [sflag:s21], $0x6000  }
0x167: {  	[sflag:s21] =	ssyncset.done $0x0  }
0x168: {  	[sflag:s21] =	ssyncadd.s32 $0xFFFFA000  }
0x169: {  	v8 =	vld.idx.msk [tilespmem:v8+s23+$0x0], $0xffff  }
0x16a: {  	v9 =	vld.idx.msk [tilespmem:v9+s23+$0x0], $0xffff;
	_ =	sdelay $0x3  }
0x16b: {  	v8 =	vmul.f32 v8, v6  }
0x16c: {  	v9 =	vmul.f32 v9, v6  }
0x16d: {  	v8 =	vadd.f32 $5.000000000e-01, v8  }
0x16e: {  	v9 =	vadd.f32 $5.000000000e-01, v9  }
0x16f: {  	v10 =	vtrunc.f32 v8  }
0x170: {  	v11 =	vtrunc.f32 v9;
	v10 =	vcvt.f32.s32 v10  }
0x171: {  	v11 =	vcvt.f32.s32 v11  }
0x172: {  	v12 =	vadd.s32 $0x1, v10  }
0x173: {  	v13 =	vcvt.s32.f32 v10;
	v14 =	vmul.u32 $0x9E3779B1, v10;
	v15 =	vadd.s32 $0x1, v11  }
0x174: {  	v16 =	vmul.u32 v11, v5;
	v18 =	vcvt.s32.f32 v11;
	vm1 =	vlt.s32 v12, v7  }
0x175: {  	v12 =	vsel vm1, v12, v7;
	v8 =	vsub.f32 v8, v13;
	v13 =	vxor.u32 v11, v14  }
0x176: {  	vm1 =	vlt.s32 v15, v7;
	v19 =	vadd.s32 v10, v16;
	v17 =	vmul.u32 $0x9E3779B1, v12  }
0x177: {  	v13 =	vand.u32 $0x7FFF, v13;
	v16 =	vadd.s32 v16, v12;
	v15 =	vsel vm1, v15, v7  }
0x178: {  	v13 =	vsel vm0, v13, v19;
	v20 =	vmul.u32 v5, v15;
	v14 =	vxor.u32 v14, v15  }
0x179: {  	v11 =	vxor.u32 v11, v17;
	v19 =	vand.u32 $0xFFFFFF80, v13;
	v17 =	vxor.u32 v15, v17  }
0x17a: {  	v14 =	vand.u32 $0x7FFF, v14;
	v11 =	vand.u32 $0x7FFF, v11;
	v10 =	vadd.s32 v10, v20  }
0x17b: {  	v12 =	vadd.s32 v12, v20;
	v11 =	vsel vm0, v11, v16;
	v16 =	vadd.s32 v13, v19  }
0x17c: {  	v13 =	vand.u32 $0x7F, v13;
	v10 =	vsel vm0, v14, v10;
	v19 =	vand.u32 $0xFFFFFF80, v11  }
0x17d: {  	v21 =	vand.u32 $0xFFFFFF80, v16;
	v14 =	vand.u32 $0xFFFFFF80, v10;
	v19 =	vadd.s32 v11, v19  }
0x17e: {  	v11 =	vand.u32 $0x7F, v11;
	v13 =	vor.u32 v13, v21;
	v15 =	vand.u32 $0xFFFFFF80, v19  }
0x17f: {  	v13 =	vadd.s32 $0x80, v13;
	v11 =	vor.u32 v11, v15;
	v15 =	vand.u32 $0x7FFF, v17  }
0x180: {  	v17 =	vadd.s32 v10, v14;
	v10 =	vand.u32 $0x7F, v10;
	v12 =	vsel vm0, v15, v12  }
0x181: {  	v11 =	vadd.s32 $0x80, v11;
	v14 =	vand.u32 $0xFFFFFF80, v17;
	v15 =	vand.u32 $0xFFFFFF80, v12  }
0x182: {  	v9 =	vsub.f32 v9, v18;
	v10 =	vor.u32 v10, v14;
	v15 =	vadd.s32 v12, v15  }
0x183: {  	v16 =	vld.idx.msk [tilespmem:v16+s4+$0x0], $0xffff;
	v12 =	vand.u32 $0x7F, v12;
	v10 =	vadd.s32 $0x80, v10;
	v14 =	vand.u32 $0xFFFFFF80, v15  }
0x184: {  	v18 =	vsub.f32 $1.000000000e+00, v9;
	v20 =	vsub.f32 $1.000000000e+00, v8;
	v21 =	vld.idx.msk [tilespmem:v13+s4+$0x0], $0xffff;
	v12 =	vor.u32 v12, v14  }
0x185: {  	v14 =	vld.idx.msk [tilespmem:v19+s4+$0x0], $0xffff;
	v22 =	vadd.s32 $0x80, v12  }
0x186: {  	v23 =	vmul.f32 v20, v18;
	v13 =	vld.idx.msk [tilespmem:v11+s4+$0x0], $0xffff  }
0x187: {  	v11 =	vld.idx.msk [tilespmem:v17+s4+$0x0], $0xffff  }
0x188: {  	v17 =	vmul.f32 v23, v16;
	v12 =	vld.idx.msk [tilespmem:v10+s4+$0x0], $0xffff  }
0x189: {  	s1 =	sadd.s32 $0x60, s19;
	v18 =	vmul.f32 v8, v18;
	v16 =	vmul.f32 v20, v9;
	v15 =	vld.idx.msk [tilespmem:v15+s4+$0x0], $0xffff  }
0x18a: {  	s31 =	simm.s32 $0x40;
	s2 =	simm.s32 $0x80;
	s0 =	simm.s32 $0x0;
	v10 =	vadd.s32 s1, v4;
	v19 =	vadd.f32 $0.0e+00, v17;
	v20 =	vmul.f32 v23, v21;
	v17 =	vld.idx.msk [tilespmem:v22+s4+$0x0], $0xffff  }
.LBB2_11:
0x18b: {  	p0 =	sne.s32 s2, $0x3FC0;
	v14 =	vmul.f32 v18, v14;
	s3 =	smov.u32 s2;
	s2 =	sadd.s32 $0x40, s2  }
0x18c: {  	v8 =	vmul.f32 v8, v9;
	v13 =	vmul.f32 v18, v13;
	v9 =	vadd.f32 $0.0e+00, v20  }
0x18d: {  	v11 =	vmul.f32 v16, v11;
	v14 =	vadd.f32 v19, v14  }
0x18e: {  	v12 =	vmul.f32 v16, v12;
	v9 =	vadd.f32 v9, v13  }
0x18f: {  	v13 =	vmul.f32 v15, v8;
	v11 =	vadd.f32 v14, v11  }
0x190: {  	v8 =	vmul.f32 v17, v8;
	v9 =	vadd.f32 v9, v12  }
0x191: {  	v12 =	vadd.s32 s1, v0;
	v11 =	vadd.f32 v11, v13  }
0x192: {  	s8 =	sshra.s32 s0, $0x2;
	s0 =	smov.u32 s31;
	s31 =	smov.u32 s3;
	v8 =	vadd.f32 v9, v8  }
0x193: {  	[tilespmem:s8+$0x16000] =	vst v11  }
0x194: {  	[tilespmem:s8+$0x17000] =	vst v8  }
0x195: {  	v8 =	vld.idx.msk [tilespmem:v10+s23+$0x0], $0xffff  }
0x196: {  	v9 =	vld.idx.msk [tilespmem:v12+s23+$0x0], $0xffff;
	_ =	sdelay $0x4  }
0x197: {  	v8 =	vmul.f32 v8, v6  }
0x198: {  	v9 =	vmul.f32 v9, v6  }
0x199: {  	v8 =	vadd.f32 $5.000000000e-01, v8  }
0x19a: {  	v9 =	vadd.f32 $5.000000000e-01, v9  }
0x19b: {  	v10 =	vtrunc.f32 v8  }
0x19c: {  	v11 =	vtrunc.f32 v9;
	v10 =	vcvt.f32.s32 v10  }
0x19d: {  	v11 =	vcvt.f32.s32 v11  }
0x19e: {  	v12 =	vcvt.s32.f32 v10;
	v13 =	vadd.s32 $0x1, v10;
	v14 =	vmul.u32 $0x9E3779B1, v10  }
0x19f: {  	v15 =	vadd.s32 $0x1, v11;
	vm1 =	vlt.s32 v13, v7;
	v16 =	vmul.u32 v11, v5  }
0x1a0: {  	v8 =	vsub.f32 v8, v12;
	v12 =	vsel vm1, v13, v7;
	v13 =	vxor.u32 v11, v14  }
0x1a1: {  	vm1 =	vlt.s32 v15, v7;
	v13 =	vand.u32 $0x7FFF, v13;
	v17 =	vmul.u32 $0x9E3779B1, v12  }
0x1a2: {  	v18 =	vcvt.s32.f32 v11;
	v19 =	vadd.s32 v10, v16;
	v16 =	vadd.s32 v16, v12  }
0x1a3: {  	v15 =	vsel vm1, v15, v7;
	v13 =	vsel vm0, v13, v19;
	v11 =	vxor.u32 v11, v17  }
0x1a4: {  	v20 =	vmul.u32 v5, v15;
	v19 =	vand.u32 $0xFFFFFF80, v13;
	v11 =	vand.u32 $0x7FFF, v11  }
0x1a5: {  	v19 =	vadd.s32 v13, v19;
	v11 =	vsel vm0, v11, v16;
	v16 =	vxor.u32 v15, v17  }
0x1a6: {  	v10 =	vadd.s32 v10, v20;
	v17 =	vand.u32 $0xFFFFFF80, v19;
	v21 =	vand.u32 $0xFFFFFF80, v11  }
0x1a7: {  	v12 =	vadd.s32 v12, v20;
	v21 =	vadd.s32 v11, v21;
	v11 =	vand.u32 $0x7F, v11  }
0x1a8: {  	v14 =	vxor.u32 v14, v15;
	v13 =	vand.u32 $0x7F, v13;
	v20 =	vand.u32 $0xFFFFFF80, v21  }
0x1a9: {  	v14 =	vand.u32 $0x7FFF, v14;
	v13 =	vor.u32 v13, v17;
	v11 =	vor.u32 v11, v20  }
0x1aa: {  	v10 =	vsel vm0, v14, v10;
	v13 =	vadd.s32 $0x80, v13;
	v11 =	vadd.s32 $0x80, v11  }
0x1ab: {  	v14 =	vand.u32 $0xFFFFFF80, v10;
	v15 =	vand.u32 $0x7FFF, v16  }
0x1ac: {  	v16 =	vadd.s32 v10, v14;
	v10 =	vand.u32 $0x7F, v10;
	v12 =	vsel vm0, v15, v12  }
0x1ad: {  	v9 =	vsub.f32 v9, v18;
	v14 =	vand.u32 $0xFFFFFF80, v16;
	v15 =	vand.u32 $0xFFFFFF80, v12  }
0x1ae: {  	v10 =	vor.u32 v10, v14;
	v15 =	vadd.s32 v12, v15;
	v12 =	vand.u32 $0x7F, v12;
	v17 =	vld.idx.msk [tilespmem:v19+s4+$0x0], $0xffff  }
0x1af: {  	v18 =	vsub.f32 $1.000000000e+00, v9;
	v10 =	vadd.s32 $0x80, v10;
	v14 =	vand.u32 $0xFFFFFF80, v15  }
0x1b0: {  	v12 =	vor.u32 v12, v14;
	v19 =	vsub.f32 $1.000000000e+00, v8;
	v20 =	vld.idx.msk [tilespmem:v13+s4+$0x0], $0xffff  }
0x1b1: {  	v14 =	vld.idx.msk [tilespmem:v21+s4+$0x0], $0xffff;
	v21 =	vadd.s32 $0x80, v12  }
.Ltmp4:
0x1b2: {  	s1 =	sadd.s32 $0x60, s1;
	v22 =	vmul.f32 v19, v18;
	v13 =	vld.idx.msk [tilespmem:v11+s4+$0x0], $0xffff;
	(pc) =	sbr.rel @p0 .LBB2_11-.Ltmp4, $4  }
0x1b3: {  	v11 =	vld.idx.msk [tilespmem:v16+s4+$0x0], $0xffff  }
0x1b4: {  	v18 =	vmul.f32 v8, v18;
	v17 =	vmul.f32 v22, v17;
	v12 =	vld.idx.msk [tilespmem:v10+s4+$0x0], $0xffff  }
0x1b5: {  	v16 =	vmul.f32 v19, v9;
	v15 =	vld.idx.msk [tilespmem:v15+s4+$0x0], $0xffff  }
0x1b6: {  	v10 =	vadd.s32 s1, v4;
	v19 =	vadd.f32 $0.0e+00, v17;
	v20 =	vmul.f32 v22, v20;
	v17 =	vld.idx.msk [tilespmem:v21+s4+$0x0], $0xffff  }
0x1b7: {  	v14 =	vmul.f32 v18, v14  }
0x1b8: {  	v13 =	vmul.f32 v18, v13;
	v20 =	vadd.f32 $0.0e+00, v20  }
0x1b9: {  	v8 =	vmul.f32 v8, v9;
	v11 =	vmul.f32 v16, v11;
	v36 =	vadd.f32 v19, v14  }
0x1ba: {  	v12 =	vmul.f32 v16, v12;
	v13 =	vadd.f32 v20, v13  }
0x1bb: {  	v37 =	vmul.f32 v15, v8;
	v9 =	vadd.f32 v36, v11  }
0x1bc: {  	v8 =	vmul.f32 v17, v8;
	v12 =	vadd.f32 v13, v12  }
0x1bd: {  	v38 =	vadd.s32 s1, v0;
	v9 =	vadd.f32 v9, v37  }
0x1be: {  	s0 =	sshra.s32 s0, $0x2;
	v8 =	vadd.f32 v12, v8  }
0x1bf: {  	[tilespmem:s0+$0x16000] =	vst v9  }
0x1c0: {  	[tilespmem:s0+$0x17000] =	vst v8  }
0x1c1: {  	v8 =	vld.idx.msk [tilespmem:v10+s23+$0x0], $0xffff  }
0x1c2: {  	v9 =	vld.idx.msk [tilespmem:v38+s23+$0x0], $0xffff;
	_ =	sdelay $0x3  }
0x1c3: {  	v8 =	vmul.f32 v8, v6  }
0x1c4: {  	v9 =	vmul.f32 v9, v6  }
0x1c5: {  	v8 =	vadd.f32 $5.000000000e-01, v8  }
0x1c6: {  	v9 =	vadd.f32 $5.000000000e-01, v9  }
0x1c7: {  	v39 =	vtrunc.f32 v8  }
0x1c8: {  	v40 =	vtrunc.f32 v9;
	v10 =	vcvt.f32.s32 v39  }
0x1c9: {  	v11 =	vcvt.f32.s32 v40  }
0x1ca: {  	v41 =	vadd.s32 $0x1, v10  }
0x1cb: {  	v42 =	vcvt.s32.f32 v10;
	v43 =	vmul.u32 $0x9E3779B1, v10;
	v44 =	vadd.s32 $0x1, v11  }
0x1cc: {  	v45 =	vmul.u32 v11, v5;
	v48 =	vcvt.s32.f32 v11;
	vm1 =	vlt.s32 v41, v7  }
0x1cd: {  	v12 =	vsel vm1, v41, v7;
	v8 =	vsub.f32 v8, v42;
	v46 =	vxor.u32 v11, v43  }
0x1ce: {  	vm1 =	vlt.s32 v44, v7;
	v49 =	vadd.s32 v10, v45;
	v47 =	vmul.u32 $0x9E3779B1, v12  }
0x1cf: {  	v13 =	vand.u32 $0x7FFF, v46;
	v16 =	vadd.s32 v45, v12;
	v15 =	vsel vm1, v44, v7  }
0x1d0: {  	v13 =	vsel vm0, v13, v49;
	v50 =	vmul.u32 v5, v15;
	v14 =	vxor.u32 v43, v15  }
0x1d1: {  	v11 =	vxor.u32 v11, v47;
	v19 =	vand.u32 $0xFFFFFF80, v13;
	v17 =	vxor.u32 v15, v47  }
0x1d2: {  	v14 =	vand.u32 $0x7FFF, v14;
	v11 =	vand.u32 $0x7FFF, v11;
	v51 =	vadd.s32 v13, v19  }
0x1d3: {  	v10 =	vadd.s32 v10, v50;
	v12 =	vadd.s32 v12, v50;
	v13 =	vand.u32 $0x7F, v13  }
0x1d4: {  	v54 =	vand.u32 $0x7FFF, v17;
	v11 =	vsel vm0, v11, v16;
	v21 =	vand.u32 $0xFFFFFF80, v51  }
0x1d5: {  	v10 =	vsel vm0, v14, v10;
	v12 =	vsel vm0, v54, v12;
	v52 =	vand.u32 $0xFFFFFF80, v11  }
0x1d6: {  	v13 =	vor.u32 v13, v21;
	v14 =	vand.u32 $0xFFFFFF80, v10;
	v19 =	vadd.s32 v11, v52  }
0x1d7: {  	v11 =	vand.u32 $0x7F, v11;
	v13 =	vadd.s32 $0x80, v13;
	v53 =	vand.u32 $0xFFFFFF80, v19  }
0x1d8: {  	v56 =	vand.u32 $0xFFFFFF80, v12;
	v14 =	vadd.s32 v10, v14;
	v11 =	vor.u32 v11, v53  }
0x1d9: {  	v10 =	vand.u32 $0x7F, v10;
	v55 =	vand.u32 $0xFFFFFF80, v14;
	v11 =	vadd.s32 $0x80, v11  }
0x1da: {  	v9 =	vsub.f32 v9, v48;
	v57 =	vadd.s32 v12, v56;
	v10 =	vor.u32 v10, v55  }
0x1db: {  	v12 =	vand.u32 $0x7F, v12;
	v17 =	vand.u32 $0xFFFFFF80, v57;
	v16 =	vld.idx.msk [tilespmem:v51+s4+$0x0], $0xffff;
	v10 =	vadd.s32 $0x80, v10  }
0x1dc: {  	v18 =	vsub.f32 $1.000000000e+00, v9;
	v58 =	vsub.f32 $1.000000000e+00, v8;
	v12 =	vor.u32 v12, v17;
	v13 =	vld.idx.msk [tilespmem:v13+s4+$0x0], $0xffff  }
0x1dd: {  	v12 =	vadd.s32 $0x80, v12;
	v59 =	vld.idx.msk [tilespmem:v19+s4+$0x0], $0xffff  }
0x1de: {  	v60 =	vmul.f32 v58, v18;
	v11 =	vld.idx.msk [tilespmem:v11+s4+$0x0], $0xffff  }
0x1df: {  	v14 =	vld.idx.msk [tilespmem:v14+s4+$0x0], $0xffff  }
0x1e0: {  	v18 =	vmul.f32 v8, v18;
	v16 =	vmul.f32 v60, v16;
	v10 =	vld.idx.msk [tilespmem:v10+s4+$0x0], $0xffff  }
0x1e1: {  	v15 =	vld.idx.msk [tilespmem:v57+s4+$0x0], $0xffff;
	v13 =	vmul.f32 v60, v13  }
0x1e2: {  	v61 =	vmul.f32 v58, v9;
	v12 =	vld.idx.msk [tilespmem:v12+s4+$0x0], $0xffff;
	v16 =	vadd.f32 $0.0e+00, v16;
	v17 =	vmul.f32 v18, v59  }
0x1e3: {  	v13 =	vadd.f32 $0.0e+00, v13;
	v11 =	vmul.f32 v18, v11  }
0x1e4: {  	v8 =	vmul.f32 v8, v9;
	v14 =	vmul.f32 v61, v14;
	v62 =	vadd.f32 v16, v17  }
0x1e5: {  	v10 =	vmul.f32 v61, v10;
	v11 =	vadd.f32 v13, v11  }
0x1e6: {  	v63 =	vmul.f32 v15, v8;
	v9 =	vadd.f32 v62, v14  }
0x1e7: {  	v8 =	vmul.f32 v12, v8;
	v10 =	vadd.f32 v11, v10  }
0x1e8: {  	v9 =	vadd.f32 v9, v63  }
0x1e9: {  	s3 =	sshra.s32 s31, $0x2;
	s8 =	sadd.s32 s15, s30;
	v8 =	vadd.f32 v10, v8  }
0x1ea: {  	s1 =	sshrl.u32 s8, $0x3;
	[tilespmem:s3+$0x16000] =	vst v9  }
0x1eb: {  	s30 =	sadd.s32 s6, s1;
	[tilespmem:s3+$0x17000] =	vst v8  }
0x1ec: {  	[hbm4b:s30+s4] =	stream.linear.scatter [tilespmem:s24], [sflag:$0x1], $0x1000, $0x38;
	[tilespmem:$0x18100] =	vst v63  }
0x1ed: {  	s29 =	sadd.s32 $0x1, s29;
	_ =	swait.ge [sflag:s21], $0x1000  }
0x1ee: {  	p0 =	sne.s32 s29, $0x10;
	[sflag:s21] =	ssyncset.done $0x0  }
.Ltmp5:
0x1ef: {  	s31 =	sadd.s32 s1, s10;
	[sflag:s21] =	ssyncadd.s32 $0xFFFFF000;
	(pc) =	sbr.rel @p0 .LBB2_10-.Ltmp5, $4  }
0x1f0: {  	[hbm4b:s31+s4] =	stream.linear.scatter [tilespmem:s25], [sflag:$0x1], $0x1000, $0x38;
	[tilespmem:$0x18100] =	vst v63  }
0x1f1: {  	_ =	swait.ge [sflag:s21], $0x1000  }
0x1f2: {  	[sflag:s21] =	ssyncset.done $0x0  }
0x1f3: {  	[sflag:s21] =	ssyncadd.s32 $0xFFFFF000  }
0x1f4: {  	s26 =	sadd.s32 $0x1, s26  }
0x1f5: {  	p0 =	sne.s32 s26, s16  }
.Ltmp6:
0x1f6: {  	_ = 	snop;
	(pc) =	sbr.rel @p0 .LBB2_1-.Ltmp6, $1  }
0x1f7: {  	_ =	sdelay $0x3  }
0x1f8: {  	_ =	sfence.sel $0x180000  }
0x1f9: {  	[bflag:$0x0] =	sbarrier.arrive $0xFFFF  }
0x1fa: {  	_ =	strace $0x90000047  }
0x1fb: {  	s0 =	stileid.u32;
	[bflag:$0x2] =	sbarrier.arrive $0xFFFF  }
0x1fc: {  	p0 =	sne.s32 s0, $0x0;
	s0 =	rddreg [dreg:$0x4]  }
0x1fd: {  	s0 =	sadd.s32 @!p0 $0x100000, s0  }
0x1fe: {  	[sflag:s0] =	ssyncadd.tile.s32 @!p0 $0x1;
	_ =	shalt  }
.Lfunc_end2:
_tile_overlayer_lowered:
.L_overlay_start_2:
0x1ff: {  	(tag) =	ssettag $0x2  }
0x200: {  	s0 =	rddreg [dreg:$0x0];
	s2 =	stileid.u32  }
0x201: {  	s1 =	rddreg [dreg:$0x1];
	p0 =	sne.s32 s2, $0x0  }
0x202: {  	s3 =	rddreg [dreg:$0x2];
	[bflag:$0x3] =	sbarrier.arrive $0xFFFF;
	s2 =	simm.s32 @!p0 $0x1C01  }
0x203: {  	[timem:s3], [sflag:s2] =	dma.local @!p0 [hbm:s0], s1  }
0x204: {  	s0 =	simm.s32 @!p0 $0x1  }
0x205: {  	_ =	swait.ge @!p0 [sflag:s0], s1  }
0x206: {  	s1 =	ssub.s32 @!p0 $0x0, s1;
	[sflag:s0] =	ssyncset.done @!p0 $0x0  }
0x207: {  	[sflag:s0] =	ssyncadd.s32 @!p0 s1  }
0x208: {  	[bflag:$0x3] =	sbarrier.arrive $0xFFFF  }
0x209: {  	_ =	shalt  }

</sc_bundles>
